<compile_context>
chip_gen: v7x
topology: tpu7x:2x2x1
jax: 0.10.2.dev20260603
libtpu: 0.0.44.dev20260713+nightly
codegen_flags: <defaults>
</compile_context>

<pallas_src>
import functools

import jax
import jax.numpy as jnp
from jax import lax
from jax.experimental import pallas as pl
from jax.experimental.pallas import tpu as pltpu
from jax.experimental.pallas import tpu_sc as plsc

N = 10000
E = 320000
D = 128

NC = 2
NS = 16
NW = NC * NS
N_PAD = 10240
ROWS_PER_TILE = N_PAD // NS

EDGE_B = 160
EDGE_C = 64
EDGE_C_LAST = 16
E_PER_W = EDGE_B * EDGE_C

DEG_B = 10000
DEG_E_PER_W = E // NW
DEG_CHUNKS = DEG_E_PER_W // DEG_B

_mesh = plsc.VectorSubcoreMesh(core_axis_name="c", subcore_axis_name="s")



@functools.partial(
    pl.kernel,
    out_type=jax.ShapeDtypeStruct((2 * N_PAD,), jnp.float32),
    mesh=_mesh,
    scratch_types=[
        pltpu.VMEM((DEG_B,), jnp.int32),
        pltpu.VMEM((DEG_B,), jnp.float32),
        pltpu.VMEM_SHARED((N_PAD,), jnp.float32),
    ],
)
def _sc_degree(row_hbm, zeros_hbm, ones_hbm, out_hbm, idx_v, ones_v, deg_sh):
    cid = lax.axis_index("c")
    sid = lax.axis_index("s")
    wid = sid * NC + cid
    r0 = sid * ROWS_PER_TILE
    pltpu.sync_copy(zeros_hbm, deg_sh.at[pl.ds(r0, ROWS_PER_TILE)])
    pltpu.sync_copy(ones_hbm, ones_v)
    plsc.subcore_barrier()

    base = wid * DEG_E_PER_W

    @pl.loop(0, DEG_CHUNKS)
    def _(k):
        pltpu.sync_copy(row_hbm.at[pl.ds(base + k * DEG_B, DEG_B)], idx_v)
        pltpu.sync_copy(ones_v, deg_sh.at[idx_v], add=True)

    plsc.subcore_barrier()
    pltpu.sync_copy(deg_sh.at[pl.ds(r0, ROWS_PER_TILE)],
                    out_hbm.at[pl.ds(cid * N_PAD + r0, ROWS_PER_TILE)])



@functools.partial(
    pl.kernel,
    out_type=jax.ShapeDtypeStruct((2 * N_PAD, D), jnp.float32),
    mesh=_mesh,
    scratch_types=[
        pltpu.VMEM((EDGE_B,), jnp.int32),
        pltpu.VMEM((EDGE_B,), jnp.int32),
        pltpu.VMEM((EDGE_B,), jnp.int32),
        pltpu.VMEM((EDGE_B,), jnp.int32),
        pltpu.VMEM((EDGE_B,), jnp.int32),
        pltpu.VMEM((EDGE_B,), jnp.int32),
        pltpu.VMEM((EDGE_B,), jnp.int32),
        pltpu.VMEM((EDGE_B,), jnp.int32),
        pltpu.VMEM((EDGE_B, D), jnp.float32),
        pltpu.VMEM((EDGE_B, D), jnp.float32),
        pltpu.VMEM_SHARED((N_PAD, D), jnp.float32),
        pltpu.SemaphoreType.DMA,
        pltpu.SemaphoreType.DMA,
        pltpu.SemaphoreType.DMA,
        pltpu.SemaphoreType.DMA,
        pltpu.SemaphoreType.DMA,
        pltpu.SemaphoreType.DMA,
        pltpu.SemaphoreType.DMA,
        pltpu.SemaphoreType.DMA,
        pltpu.SemaphoreType.DMA,
        pltpu.SemaphoreType.DMA,
        pltpu.SemaphoreType.DMA,
        pltpu.SemaphoreType.DMA,
    ],
)
def _sc_edges(row_hbm, col_hbm, g_hbm, zeros_hbm, out_hbm,
              rb0, rb1, rb2, rb3, cb0, cb1, cb2, cb3, rows0, rows1, acc_sh,
              sr0, sr1, sr2, sr3, sc0, sc1, sc2, sc3, sg0, sg1, ss0, ss1):
    cid = lax.axis_index("c")
    sid = lax.axis_index("s")
    wid = sid * NC + cid
    r0 = sid * ROWS_PER_TILE
    base = wid * E_PER_W
    n_chunks = jnp.where(wid == NW - 1, EDGE_C_LAST, EDGE_C)
    rb = (rb0, rb1, rb2, rb3)
    cb = (cb0, cb1, cb2, cb3)
    rows = (rows0, rows1)
    sr = (sr0, sr1, sr2, sr3)
    sc = (sc0, sc1, sc2, sc3)
    sg = (sg0, sg1)
    ss = (ss0, ss1)

    def start_idx(k, p4):
        off = base + k * EDGE_B
        pltpu.async_copy(row_hbm.at[pl.ds(off, EDGE_B)], rb[p4], sr[p4])
        pltpu.async_copy(col_hbm.at[pl.ds(off, EDGE_B)], cb[p4], sc[p4])

    def wait_row(k, p4):
        pltpu.make_async_copy(
            row_hbm.at[pl.ds(base + k * EDGE_B, EDGE_B)], rb[p4], sr[p4]).wait()

    def wait_col(k, p4):
        pltpu.make_async_copy(
            col_hbm.at[pl.ds(base + k * EDGE_B, EDGE_B)], cb[p4], sc[p4]).wait()

    def start_gather(p4, p2):
        return pltpu.async_copy(g_hbm.at[rb[p4]], rows[p2], sg[p2])

    def wait_gather(p4, p2):
        pltpu.make_async_copy(g_hbm.at[rb[p4]], rows[p2], sg[p2]).wait()

    def start_scatter(p2, p4):
        return pltpu.async_copy(rows[p2], acc_sh.at[cb[p4]], ss[p2], add=True)

    def wait_scatter(p2, p4):
        pltpu.make_async_copy(rows[p2], acc_sh.at[cb[p4]], ss[p2]).wait()

    start_idx(0, 0)
    start_idx(1, 1)
    start_idx(2, 2)
    start_idx(3, 3)
    wait_row(0, 0)
    start_gather(0, 0)
    wait_row(1, 1)
    start_gather(1, 1)
    pltpu.sync_copy(zeros_hbm, acc_sh.at[pl.ds(r0, ROWS_PER_TILE)])
    plsc.subcore_barrier()
    wait_gather(0, 0)
    wait_col(0, 0)
    start_scatter(0, 0)

    @pl.loop(0, (jnp.where(wid == NW - 1, EDGE_C_LAST, EDGE_C) - 4) // 4)
    def _(j):
        for p in range(4):
            k = 2 + 4 * j + p
            p2 = p % 2
            p4 = (2 + p) % 4
            wait_scatter(p2, p)
            start_idx(k + 2, p)
            wait_row(k, p4)
            start_gather(p4, p2)
            q2 = 1 - p2
            q4 = (p + 1) % 4
            wait_gather(q4, q2)
            wait_col(k - 1, q4)
            start_scatter(q2, q4)

    wait_scatter(0, 0)
    wait_row(n_chunks - 2, 2)
    start_gather(2, 0)
    wait_gather(1, 1)
    wait_col(n_chunks - 3, 1)
    start_scatter(1, 1)
    wait_scatter(1, 1)
    wait_row(n_chunks - 1, 3)
    start_gather(3, 1)
    wait_gather(2, 0)
    wait_col(n_chunks - 2, 2)
    start_scatter(0, 2)
    wait_gather(3, 1)
    wait_col(n_chunks - 1, 3)
    start_scatter(1, 3)
    wait_scatter(0, 2)
    wait_scatter(1, 3)

    plsc.subcore_barrier()
    pltpu.sync_copy(acc_sh.at[pl.ds(r0, ROWS_PER_TILE)],
                    out_hbm.at[pl.ds(cid * N_PAD + r0, ROWS_PER_TILE)])



_BLK = 2048
_GRID = -(-N // _BLK)


def _linear_body(x_ref, w_ref, b_ref, o_ref):
    o_ref[...] = lax.dot_general(
        x_ref[...], w_ref[...], (((1,), (1,)), ((), ())),
        preferred_element_type=jnp.float32) + b_ref[...]


def _tc_linear(x, W, b):
    return pl.pallas_call(
        _linear_body,
        grid=(_GRID,),
        in_specs=[
            pl.BlockSpec((_BLK, D), lambda i: (i, 0)),
            pl.BlockSpec((D, D), lambda i: (0, 0)),
            pl.BlockSpec((1, D), lambda i: (0, 0)),
        ],
        out_specs=pl.BlockSpec((_BLK, D), lambda i: (i, 0)),
        out_shape=jax.ShapeDtypeStruct((N, D), jnp.float32),
    )(x, W, b.reshape(1, D))


def _scale_body(h_ref, dega_ref, degb_ref, o_ref):
    deg = dega_ref[...] + degb_ref[...] + 1.0
    o_ref[...] = h_ref[...] * lax.rsqrt(deg)


def _tc_scale(h, deg_col):
    return pl.pallas_call(
        _scale_body,
        grid=(_GRID,),
        in_specs=[
            pl.BlockSpec((_BLK, D), lambda i: (i, 0)),
            pl.BlockSpec((_BLK, 1), lambda i: (i, 0)),
            pl.BlockSpec((_BLK, 1), lambda i: (i + N_PAD // _BLK, 0)),
        ],
        out_specs=pl.BlockSpec((_BLK, D), lambda i: (i, 0)),
        out_shape=jax.ShapeDtypeStruct((N, D), jnp.float32),
    )(h, deg_col, deg_col)


def _final_body(s0_ref, s1_ref, g_ref, dega_ref, degb_ref, x_ref,
                gamma_ref, beta_ref, o_ref):
    deg = dega_ref[...] + degb_ref[...] + 1.0
    dinv = lax.rsqrt(deg)
    t = dinv * (s0_ref[...] + s1_ref[...] + g_ref[...])
    t = jnp.maximum(t, 0.0)
    mu = jnp.mean(t, axis=-1, keepdims=True)
    var = jnp.mean((t - mu) ** 2, axis=-1, keepdims=True)
    y = (t - mu) * lax.rsqrt(var + 1e-5)
    o_ref[...] = y * gamma_ref[...] + beta_ref[...] + x_ref[...]


def _tc_final(s_p, g, deg_p, x, gamma, beta):
    return pl.pallas_call(
        _final_body,
        grid=(_GRID,),
        in_specs=[
            pl.BlockSpec((_BLK, D), lambda i: (i, 0)),
            pl.BlockSpec((_BLK, D), lambda i: (i + N_PAD // _BLK, 0)),
            pl.BlockSpec((_BLK, D), lambda i: (i, 0)),
            pl.BlockSpec((_BLK, 1), lambda i: (i, 0)),
            pl.BlockSpec((_BLK, 1), lambda i: (i + N_PAD // _BLK, 0)),
            pl.BlockSpec((_BLK, D), lambda i: (i, 0)),
            pl.BlockSpec((1, D), lambda i: (0, 0)),
            pl.BlockSpec((1, D), lambda i: (0, 0)),
        ],
        out_specs=pl.BlockSpec((_BLK, D), lambda i: (i, 0)),
        out_shape=jax.ShapeDtypeStruct((N, D), jnp.float32),
    )(s_p, s_p, g, deg_p, deg_p, x, gamma.reshape(1, D), beta.reshape(1, D))



def kernel(x, edge_index, W, b, gamma, beta):
    row = edge_index[0].astype(jnp.int32)
    col = edge_index[1].astype(jnp.int32)

    zeros_deg = jnp.zeros((ROWS_PER_TILE,), jnp.float32)
    ones_upd = jnp.ones((DEG_B,), jnp.float32)
    zeros_acc = jnp.zeros((ROWS_PER_TILE, D), jnp.float32)

    deg_p = _sc_degree(row, zeros_deg, ones_upd)
    h = _tc_linear(x, W, b)
    deg_col = deg_p.reshape(2 * N_PAD, 1)
    g = _tc_scale(h, deg_col)
    s_p = _sc_edges(row, col, g, zeros_acc)
    return _tc_final(s_p, g, deg_col, x, gamma, beta)

# --- scband reference (transcript-rebuilt; emitter-appended) ---
"""Pipeline reference for scband-res-gcnblock-8881992368542 (READ-ONLY COPY).

The authoritative reference and input builder live on the scoring server;
editing this copy changes nothing except your own understanding.
"""

import jax, jax.numpy as jnp
import numpy as np

N_NODES = 10000
N_EDGES = 320000
D = 128

def setup_inputs(seed: int = 0) -> dict:
    key = jax.random.key(seed)
    k1, k2, k3, k4 = jax.random.split(key, 4)
    x = jax.random.normal(k1, (N_NODES, D), dtype=jnp.float32)
    edge_index = jax.random.randint(k2, (2, N_EDGES), 0, N_NODES, dtype=jnp.int64)
    W = jax.random.normal(k3, (D, D), dtype=jnp.float32) * (1.0 / np.sqrt(D))
    b = jnp.zeros((D,), dtype=jnp.float32)
    gamma = jnp.ones((D,), dtype=jnp.float32)
    beta = jnp.zeros((D,), dtype=jnp.float32)
    return {"x": x, "edge_index": edge_index, "W": W, "b": b, "gamma": gamma, "beta": beta}

def reference(x, edge_index, W, b, gamma, beta):
    N = x.shape[0]
    # add self loops
    sl = jnp.arange(N, dtype=edge_index.dtype)
    ei = jnp.concatenate([edge_index, jnp.stack([sl, sl], axis=0)], axis=1)
    row, col = ei[0], ei[1]
    # linear transform
    h = x @ W.T + b
    # symmetric normalization (degree computed over row, as in the torch code)
    deg = jnp.zeros((N,), dtype=x.dtype).at[row].add(jnp.ones_like(row, dtype=x.dtype))
    dinv = deg ** (-0.5)
    norm = dinv[row] * dinv[col]
    # message: norm * x_j (x_j = h[row]); aggregate 'add' at target col
    msg = norm[:, None] * h[row]
    out = jax.ops.segment_sum(msg, col, num_segments=N)
    out = jax.nn.relu(out)
    # dropout is identity in eval / deterministic reference
    mu = jnp.mean(out, axis=-1, keepdims=True)
    var = jnp.var(out, axis=-1, keepdims=True)
    out = (out - mu) / jnp.sqrt(var + 1e-5) * gamma + beta
    # in_channels == out_channels -> identity residual (no projection)
    return out + x

if __name__ == "__main__":
    import jax
    _d = setup_inputs()
    print(jax.jit(kernel)(*tuple(_d.values())))

</pallas_src>

<mosaic_0001>
#map = affine_map<(d0, d1) -> (0)>
module attributes {stable_mosaic.version = 14 : i64} {
  func.func @_sc_degree(%arg0: i32, %arg1: i32, %arg2: memref<320000xi32, #tpu.memory_space<hbm>>, %arg3: memref<640xf32, #tpu.memory_space<hbm>>, %arg4: memref<10000xf32, #tpu.memory_space<hbm>>, %arg5: memref<20480xf32, #tpu.memory_space<hbm>>, %arg6: memref<10000xi32, #tpu.memory_space<vmem>>, %arg7: memref<10000xf32, #tpu.memory_space<vmem>>, %arg8: memref<10240xf32, #tpu.memory_space<vmem_shared>>) attributes {dimension_semantics = [#tpu.dimension_semantics<core_parallel>, #tpu.dimension_semantics<subcore_parallel>], iteration_bounds = array<i64: 2, 16>, scalar_prefetch = 0 : i64, scratch_operands = 3 : i64, tpu.core_type = #tpu.core_type<sc_vector_subcore>, window_params = [{transform_indices = #map}, {transform_indices = #map}, {transform_indices = #map}, {transform_indices = #map}]} {
    %mul3A = arith.constant 2 : i32
    %mul3A_0 = arith.muli %arg1, %mul3A : i32
    %add3A = arith.addi %mul3A_0, %arg0 : i32
    %mul3A_1 = arith.constant 640 : i32
    %mul3A_2 = arith.muli %arg1, %mul3A_1 : i32
    "tpu.region"() ({
      %run_scoped3A = tpu.sem_alloc : memref<!tpu.dma_semaphore, #tpu.memory_space<semaphore_mem>>
      %dma_start3A = tpu.memref_slice %arg8[%mul3A_2] : memref<10240xf32, #tpu.memory_space<vmem_shared>> -> memref<640xf32, #tpu.memory_space<vmem_shared>>
      tpu.enqueue_dma source(%arg3 : memref<640xf32, #tpu.memory_space<hbm>>) target(%dma_start3A : memref<640xf32, #tpu.memory_space<vmem_shared>>) target_semaphore(%run_scoped3A : memref<!tpu.dma_semaphore, #tpu.memory_space<semaphore_mem>>)
      %dma_wait3A = tpu.memref_slice %arg8[%mul3A_2] : memref<10240xf32, #tpu.memory_space<vmem_shared>> -> memref<640xf32, #tpu.memory_space<vmem_shared>>
      tpu.wait_dma2 semaphore(%run_scoped3A : memref<!tpu.dma_semaphore, #tpu.memory_space<semaphore_mem>>) src(%arg3 : memref<640xf32, #tpu.memory_space<hbm>>) dst(%dma_wait3A : memref<640xf32, #tpu.memory_space<vmem_shared>>)
      tpu.yield
    }) : () -> ()
    "tpu.region"() ({
      %run_scoped3A = tpu.sem_alloc : memref<!tpu.dma_semaphore, #tpu.memory_space<semaphore_mem>>
      tpu.enqueue_dma source(%arg4 : memref<10000xf32, #tpu.memory_space<hbm>>) target(%arg7 : memref<10000xf32, #tpu.memory_space<vmem>>) target_semaphore(%run_scoped3A : memref<!tpu.dma_semaphore, #tpu.memory_space<semaphore_mem>>)
      tpu.wait_dma2 semaphore(%run_scoped3A : memref<!tpu.dma_semaphore, #tpu.memory_space<semaphore_mem>>) src(%arg4 : memref<10000xf32, #tpu.memory_space<hbm>>) dst(%arg7 : memref<10000xf32, #tpu.memory_space<vmem>>)
      tpu.yield
    }) : () -> ()
    %barrier3A = arith.constant 0 : index
    tpu.barrier barrier_id(%barrier3A)
    %mul3A_3 = arith.constant 10000 : i32
    %mul3A_4 = arith.muli %add3A, %mul3A_3 : i32
    %scan3A = arith.constant 0 : i32
    %mul3A_5 = arith.constant 1 : i32
    %mul3A_6 = arith.muli %scan3A, %mul3A_5 : i32
    %add3A_7 = arith.constant 0 : i32
    %add3A_8 = arith.addi %add3A_7, %mul3A_6 : i32
    %mul3A_9 = arith.constant 10000 : i32
    %mul3A_10 = arith.muli %add3A_8, %mul3A_9 : i32
    %add3A_11 = arith.addi %mul3A_4, %mul3A_10 : i32
    "tpu.region"() ({
      %run_scoped3A = tpu.sem_alloc : memref<!tpu.dma_semaphore, #tpu.memory_space<semaphore_mem>>
      %dma_start3A = tpu.memref_slice %arg2[%add3A_11] : memref<320000xi32, #tpu.memory_space<hbm>> -> memref<10000xi32, #tpu.memory_space<hbm>>
      %dma_start3A_17 = tpu.memref_slice %arg2[%add3A_11] : memref<320000xi32, #tpu.memory_space<hbm>> -> memref<10000xi32, #tpu.memory_space<hbm>>
      tpu.enqueue_dma source(%dma_start3A_17 : memref<10000xi32, #tpu.memory_space<hbm>>) target(%arg6 : memref<10000xi32, #tpu.memory_space<vmem>>) target_semaphore(%run_scoped3A : memref<!tpu.dma_semaphore, #tpu.memory_space<semaphore_mem>>)
      %dma_wait3A = tpu.memref_slice %arg2[%add3A_11] : memref<320000xi32, #tpu.memory_space<hbm>> -> memref<10000xi32, #tpu.memory_space<hbm>>
      %dma_wait3A_18 = tpu.memref_slice %arg2[%add3A_11] : memref<320000xi32, #tpu.memory_space<hbm>> -> memref<10000xi32, #tpu.memory_space<hbm>>
      tpu.wait_dma2 semaphore(%run_scoped3A : memref<!tpu.dma_semaphore, #tpu.memory_space<semaphore_mem>>) src(%dma_wait3A_18 : memref<10000xi32, #tpu.memory_space<hbm>>) dst(%arg6 : memref<10000xi32, #tpu.memory_space<vmem>>)
      tpu.yield
    }) : () -> ()
    "tpu.region"() ({
      %run_scoped3A = tpu.sem_alloc : memref<!tpu.dma_semaphore, #tpu.memory_space<semaphore_mem>>
      %dma_start3A = arith.constant 0 : i32
      %dma_start3A_17 = tpu.memref_slice %arg8[%dma_start3A] : memref<10240xf32, #tpu.memory_space<vmem_shared>> -> memref<10240xf32, #tpu.memory_space<vmem_shared>>
      tpu.enqueue_indirect_dma source(%arg7 : memref<10000xf32, #tpu.memory_space<vmem>>) target(%dma_start3A_17 : memref<10240xf32, #tpu.memory_space<vmem_shared>>) offsets(%arg6 : memref<10000xi32, #tpu.memory_space<vmem>>) semaphore(%run_scoped3A : memref<!tpu.dma_semaphore, #tpu.memory_space<semaphore_mem>>) {add = true}
      %dma_wait3A = arith.constant 0 : i32
      %dma_wait3A_18 = tpu.memref_slice %arg8[%dma_wait3A] : memref<10240xf32, #tpu.memory_space<vmem_shared>> -> memref<10240xf32, #tpu.memory_space<vmem_shared>>
      tpu.wait_indirect_dma semaphore(%run_scoped3A : memref<!tpu.dma_semaphore, #tpu.memory_space<semaphore_mem>>) src(%arg7 : memref<10000xf32, #tpu.memory_space<vmem>>) dst(%dma_wait3A_18 : memref<10240xf32, #tpu.memory_space<vmem_shared>>)
      tpu.yield
    }) : () -> ()
    %scan3A_12 = arith.constant 1 : i32
    %barrier3A_13 = arith.constant 0 : index
    tpu.barrier barrier_id(%barrier3A_13)
    %mul3A_14 = arith.constant 10240 : i32
    %mul3A_15 = arith.muli %arg0, %mul3A_14 : i32
    %add3A_16 = arith.addi %mul3A_15, %mul3A_2 : i32
    "tpu.region"() ({
      %run_scoped3A = tpu.sem_alloc : memref<!tpu.dma_semaphore, #tpu.memory_space<semaphore_mem>>
      %dma_start3A = tpu.memref_slice %arg5[%add3A_16] : memref<20480xf32, #tpu.memory_space<hbm>> -> memref<640xf32, #tpu.memory_space<hbm>>
      %dma_start3A_17 = tpu.memref_slice %arg8[%mul3A_2] : memref<10240xf32, #tpu.memory_space<vmem_shared>> -> memref<640xf32, #tpu.memory_space<vmem_shared>>
      tpu.enqueue_dma source(%dma_start3A_17 : memref<640xf32, #tpu.memory_space<vmem_shared>>) target(%dma_start3A : memref<640xf32, #tpu.memory_space<hbm>>) target_semaphore(%run_scoped3A : memref<!tpu.dma_semaphore, #tpu.memory_space<semaphore_mem>>)
      %dma_wait3A = tpu.memref_slice %arg5[%add3A_16] : memref<20480xf32, #tpu.memory_space<hbm>> -> memref<640xf32, #tpu.memory_space<hbm>>
      %dma_wait3A_18 = tpu.memref_slice %arg8[%mul3A_2] : memref<10240xf32, #tpu.memory_space<vmem_shared>> -> memref<640xf32, #tpu.memory_space<vmem_shared>>
      tpu.wait_dma2 semaphore(%run_scoped3A : memref<!tpu.dma_semaphore, #tpu.memory_space<semaphore_mem>>) src(%dma_wait3A_18 : memref<640xf32, #tpu.memory_space<vmem_shared>>) dst(%dma_wait3A : memref<640xf32, #tpu.memory_space<hbm>>)
      tpu.yield
    }) : () -> ()
    return
  }
}

#map = affine_map<(d0, d1) -> (0)>
#map1 = affine_map<(d0, d1) -> (0, 0)>
module attributes {stable_mosaic.version = 14 : i64} {
  func.func @_sc_edges(%arg0: i32, %arg1: i32, %arg2: memref<320000xi32, #tpu.memory_space<hbm>>, %arg3: memref<320000xi32, #tpu.memory_space<hbm>>, %arg4: memref<10000x128xf32, #tpu.memory_space<hbm>>, %arg5: memref<640x128xf32, #tpu.memory_space<hbm>>, %arg6: memref<20480x128xf32, #tpu.memory_space<hbm>>, %arg7: memref<160xi32, #tpu.memory_space<vmem>>, %arg8: memref<160xi32, #tpu.memory_space<vmem>>, %arg9: memref<160xi32, #tpu.memory_space<vmem>>, %arg10: memref<160xi32, #tpu.memory_space<vmem>>, %arg11: memref<160xi32, #tpu.memory_space<vmem>>, %arg12: memref<160xi32, #tpu.memory_space<vmem>>, %arg13: memref<160xi32, #tpu.memory_space<vmem>>, %arg14: memref<160xi32, #tpu.memory_space<vmem>>, %arg15: memref<160x128xf32, #tpu.memory_space<vmem>>, %arg16: memref<160x128xf32, #tpu.memory_space<vmem>>, %arg17: memref<10240x128xf32, #tpu.memory_space<vmem_shared>>, %arg18: memref<!tpu.dma_semaphore, #tpu.memory_space<semaphore_mem>>, %arg19: memref<!tpu.dma_semaphore, #tpu.memory_space<semaphore_mem>>, %arg20: memref<!tpu.dma_semaphore, #tpu.memory_space<semaphore_mem>>, %arg21: memref<!tpu.dma_semaphore, #tpu.memory_space<semaphore_mem>>, %arg22: memref<!tpu.dma_semaphore, #tpu.memory_space<semaphore_mem>>, %arg23: memref<!tpu.dma_semaphore, #tpu.memory_space<semaphore_mem>>, %arg24: memref<!tpu.dma_semaphore, #tpu.memory_space<semaphore_mem>>, %arg25: memref<!tpu.dma_semaphore, #tpu.memory_space<semaphore_mem>>, %arg26: memref<!tpu.dma_semaphore, #tpu.memory_space<semaphore_mem>>, %arg27: memref<!tpu.dma_semaphore, #tpu.memory_space<semaphore_mem>>, %arg28: memref<!tpu.dma_semaphore, #tpu.memory_space<semaphore_mem>>, %arg29: memref<!tpu.dma_semaphore, #tpu.memory_space<semaphore_mem>>) attributes {dimension_semantics = [#tpu.dimension_semantics<core_parallel>, #tpu.dimension_semantics<subcore_parallel>], iteration_bounds = array<i64: 2, 16>, scalar_prefetch = 0 : i64, scratch_operands = 23 : i64, tpu.core_type = #tpu.core_type<sc_vector_subcore>, window_params = [{transform_indices = #map}, {transform_indices = #map}, {transform_indices = #map1}, {transform_indices = #map1}, {transform_indices = #map1}]} {
    %mul3A = arith.constant 2 : i32
    %mul3A_0 = arith.muli %arg1, %mul3A : i32
    %add3A = arith.addi %mul3A_0, %arg0 : i32
    %mul3A_1 = arith.constant 640 : i32
    %mul3A_2 = arith.muli %arg1, %mul3A_1 : i32
    %mul3A_3 = arith.constant 10240 : i32
    %mul3A_4 = arith.muli %add3A, %mul3A_3 : i32
    %eq3A = arith.constant 31 : i32
    %eq3A_5 = arith.cmpi eq, %add3A, %eq3A : i32
    %jit3A = arith.constant 16 : i32
    %jit3A_6 = arith.constant 64 : i32
    %select_n3A = arith.select %eq3A_5, %jit3A, %jit3A_6 : i32
    %add3A_7 = arith.constant 0 : i32
    %add3A_8 = arith.addi %mul3A_4, %add3A_7 : i32
    %dma_start3A = tpu.memref_slice %arg2[%add3A_8] : memref<320000xi32, #tpu.memory_space<hbm>> -> memref<160xi32, #tpu.memory_space<hbm>>
    %dma_start3A_9 = tpu.memref_slice %arg2[%add3A_8] : memref<320000xi32, #tpu.memory_space<hbm>> -> memref<160xi32, #tpu.memory_space<hbm>>
    tpu.enqueue_dma source(%dma_start3A_9 : memref<160xi32, #tpu.memory_space<hbm>>) target(%arg7 : memref<160xi32, #tpu.memory_space<vmem>>) target_semaphore(%arg18 : memref<!tpu.dma_semaphore, #tpu.memory_space<semaphore_mem>>)
    %dma_start3A_10 = tpu.memref_slice %arg3[%add3A_8] : memref<320000xi32, #tpu.memory_space<hbm>> -> memref<160xi32, #tpu.memory_space<hbm>>
    %dma_start3A_11 = tpu.memref_slice %arg3[%add3A_8] : memref<320000xi32, #tpu.memory_space<hbm>> -> memref<160xi32, #tpu.memory_space<hbm>>
    tpu.enqueue_dma source(%dma_start3A_11 : memref<160xi32, #tpu.memory_space<hbm>>) target(%arg11 : memref<160xi32, #tpu.memory_space<vmem>>) target_semaphore(%arg22 : memref<!tpu.dma_semaphore, #tpu.memory_space<semaphore_mem>>)
    %add3A_12 = arith.constant 160 : i32
    %add3A_13 = arith.addi %mul3A_4, %add3A_12 : i32
    %dma_start3A_14 = tpu.memref_slice %arg2[%add3A_13] : memref<320000xi32, #tpu.memory_space<hbm>> -> memref<160xi32, #tpu.memory_space<hbm>>
    %dma_start3A_15 = tpu.memref_slice %arg2[%add3A_13] : memref<320000xi32, #tpu.memory_space<hbm>> -> memref<160xi32, #tpu.memory_space<hbm>>
    tpu.enqueue_dma source(%dma_start3A_15 : memref<160xi32, #tpu.memory_space<hbm>>) target(%arg8 : memref<160xi32, #tpu.memory_space<vmem>>) target_semaphore(%arg19 : memref<!tpu.dma_semaphore, #tpu.memory_space<semaphore_mem>>)
    %dma_start3A_16 = tpu.memref_slice %arg3[%add3A_13] : memref<320000xi32, #tpu.memory_space<hbm>> -> memref<160xi32, #tpu.memory_space<hbm>>
    %dma_start3A_17 = tpu.memref_slice %arg3[%add3A_13] : memref<320000xi32, #tpu.memory_space<hbm>> -> memref<160xi32, #tpu.memory_space<hbm>>
    tpu.enqueue_dma source(%dma_start3A_17 : memref<160xi32, #tpu.memory_space<hbm>>) target(%arg12 : memref<160xi32, #tpu.memory_space<vmem>>) target_semaphore(%arg23 : memref<!tpu.dma_semaphore, #tpu.memory_space<semaphore_mem>>)
    %add3A_18 = arith.constant 320 : i32
    %add3A_19 = arith.addi %mul3A_4, %add3A_18 : i32
    %dma_start3A_20 = tpu.memref_slice %arg2[%add3A_19] : memref<320000xi32, #tpu.memory_space<hbm>> -> memref<160xi32, #tpu.memory_space<hbm>>
    %dma_start3A_21 = tpu.memref_slice %arg2[%add3A_19] : memref<320000xi32, #tpu.memory_space<hbm>> -> memref<160xi32, #tpu.memory_space<hbm>>
    tpu.enqueue_dma source(%dma_start3A_21 : memref<160xi32, #tpu.memory_space<hbm>>) target(%arg9 : memref<160xi32, #tpu.memory_space<vmem>>) target_semaphore(%arg20 : memref<!tpu.dma_semaphore, #tpu.memory_space<semaphore_mem>>)
    %dma_start3A_22 = tpu.memref_slice %arg3[%add3A_19] : memref<320000xi32, #tpu.memory_space<hbm>> -> memref<160xi32, #tpu.memory_space<hbm>>
    %dma_start3A_23 = tpu.memref_slice %arg3[%add3A_19] : memref<320000xi32, #tpu.memory_space<hbm>> -> memref<160xi32, #tpu.memory_space<hbm>>
    tpu.enqueue_dma source(%dma_start3A_23 : memref<160xi32, #tpu.memory_space<hbm>>) target(%arg13 : memref<160xi32, #tpu.memory_space<vmem>>) target_semaphore(%arg24 : memref<!tpu.dma_semaphore, #tpu.memory_space<semaphore_mem>>)
    %add3A_24 = arith.constant 480 : i32
    %add3A_25 = arith.addi %mul3A_4, %add3A_24 : i32
    %dma_start3A_26 = tpu.memref_slice %arg2[%add3A_25] : memref<320000xi32, #tpu.memory_space<hbm>> -> memref<160xi32, #tpu.memory_space<hbm>>
    %dma_start3A_27 = tpu.memref_slice %arg2[%add3A_25] : memref<320000xi32, #tpu.memory_space<hbm>> -> memref<160xi32, #tpu.memory_space<hbm>>
    tpu.enqueue_dma source(%dma_start3A_27 : memref<160xi32, #tpu.memory_space<hbm>>) target(%arg10 : memref<160xi32, #tpu.memory_space<vmem>>) target_semaphore(%arg21 : memref<!tpu.dma_semaphore, #tpu.memory_space<semaphore_mem>>)
    %dma_start3A_28 = tpu.memref_slice %arg3[%add3A_25] : memref<320000xi32, #tpu.memory_space<hbm>> -> memref<160xi32, #tpu.memory_space<hbm>>
    %dma_start3A_29 = tpu.memref_slice %arg3[%add3A_25] : memref<320000xi32, #tpu.memory_space<hbm>> -> memref<160xi32, #tpu.memory_space<hbm>>
    tpu.enqueue_dma source(%dma_start3A_29 : memref<160xi32, #tpu.memory_space<hbm>>) target(%arg14 : memref<160xi32, #tpu.memory_space<vmem>>) target_semaphore(%arg25 : memref<!tpu.dma_semaphore, #tpu.memory_space<semaphore_mem>>)
    %add3A_30 = arith.constant 0 : i32
    %add3A_31 = arith.addi %mul3A_4, %add3A_30 : i32
    %dma_wait3A = tpu.memref_slice %arg2[%add3A_31] : memref<320000xi32, #tpu.memory_space<hbm>> -> memref<160xi32, #tpu.memory_space<hbm>>
    %dma_wait3A_32 = tpu.memref_slice %arg2[%add3A_31] : memref<320000xi32, #tpu.memory_space<hbm>> -> memref<160xi32, #tpu.memory_space<hbm>>
    tpu.wait_dma2 semaphore(%arg18 : memref<!tpu.dma_semaphore, #tpu.memory_space<semaphore_mem>>) src(%dma_wait3A_32 : memref<160xi32, #tpu.memory_space<hbm>>) dst(%arg7 : memref<160xi32, #tpu.memory_space<vmem>>)
    %dma_start3A_33 = arith.constant 0 : i32
    %dma_start3A_34 = arith.constant 0 : i32
    %dma_start3A_35 = tpu.memref_slice %arg4[%dma_start3A_33, %dma_start3A_34] : memref<10000x128xf32, #tpu.memory_space<hbm>> -> memref<10000x128xf32, #tpu.memory_space<hbm>>
    tpu.enqueue_indirect_dma source(%dma_start3A_35 : memref<10000x128xf32, #tpu.memory_space<hbm>>) target(%arg15 : memref<160x128xf32, #tpu.memory_space<vmem>>) offsets(%arg7 : memref<160xi32, #tpu.memory_space<vmem>>) semaphore(%arg26 : memref<!tpu.dma_semaphore, #tpu.memory_space<semaphore_mem>>)
    %add3A_36 = arith.constant 160 : i32
    %add3A_37 = arith.addi %mul3A_4, %add3A_36 : i32
    %dma_wait3A_38 = tpu.memref_slice %arg2[%add3A_37] : memref<320000xi32, #tpu.memory_space<hbm>> -> memref<160xi32, #tpu.memory_space<hbm>>
    %dma_wait3A_39 = tpu.memref_slice %arg2[%add3A_37] : memref<320000xi32, #tpu.memory_space<hbm>> -> memref<160xi32, #tpu.memory_space<hbm>>
    tpu.wait_dma2 semaphore(%arg19 : memref<!tpu.dma_semaphore, #tpu.memory_space<semaphore_mem>>) src(%dma_wait3A_39 : memref<160xi32, #tpu.memory_space<hbm>>) dst(%arg8 : memref<160xi32, #tpu.memory_space<vmem>>)
    %dma_start3A_40 = arith.constant 0 : i32
    %dma_start3A_41 = arith.constant 0 : i32
    %dma_start3A_42 = tpu.memref_slice %arg4[%dma_start3A_40, %dma_start3A_41] : memref<10000x128xf32, #tpu.memory_space<hbm>> -> memref<10000x128xf32, #tpu.memory_space<hbm>>
    tpu.enqueue_indirect_dma source(%dma_start3A_42 : memref<10000x128xf32, #tpu.memory_space<hbm>>) target(%arg16 : memref<160x128xf32, #tpu.memory_space<vmem>>) offsets(%arg8 : memref<160xi32, #tpu.memory_space<vmem>>) semaphore(%arg27 : memref<!tpu.dma_semaphore, #tpu.memory_space<semaphore_mem>>)
    "tpu.region"() ({
      %run_scoped3A = tpu.sem_alloc : memref<!tpu.dma_semaphore, #tpu.memory_space<semaphore_mem>>
      %dma_start3A_171 = arith.constant 0 : i32
      %dma_start3A_172 = tpu.memref_slice %arg17[%mul3A_2, %dma_start3A_171] : memref<10240x128xf32, #tpu.memory_space<vmem_shared>> -> memref<640x128xf32, #tpu.memory_space<vmem_shared>>
      tpu.enqueue_dma source(%arg5 : memref<640x128xf32, #tpu.memory_space<hbm>>) target(%dma_start3A_172 : memref<640x128xf32, #tpu.memory_space<vmem_shared>>) target_semaphore(%run_scoped3A : memref<!tpu.dma_semaphore, #tpu.memory_space<semaphore_mem>>)
      %dma_wait3A_173 = arith.constant 0 : i32
      %dma_wait3A_174 = tpu.memref_slice %arg17[%mul3A_2, %dma_wait3A_173] : memref<10240x128xf32, #tpu.memory_space<vmem_shared>> -> memref<640x128xf32, #tpu.memory_space<vmem_shared>>
      tpu.wait_dma2 semaphore(%run_scoped3A : memref<!tpu.dma_semaphore, #tpu.memory_space<semaphore_mem>>) src(%arg5 : memref<640x128xf32, #tpu.memory_space<hbm>>) dst(%dma_wait3A_174 : memref<640x128xf32, #tpu.memory_space<vmem_shared>>)
      tpu.yield
    }) : () -> ()
    %barrier3A = arith.constant 0 : index
    tpu.barrier barrier_id(%barrier3A)
    %dma_wait3A_43 = arith.constant 0 : i32
    %dma_wait3A_44 = arith.constant 0 : i32
    %dma_wait3A_45 = tpu.memref_slice %arg4[%dma_wait3A_43, %dma_wait3A_44] : memref<10000x128xf32, #tpu.memory_space<hbm>> -> memref<10000x128xf32, #tpu.memory_space<hbm>>
    tpu.wait_indirect_dma semaphore(%arg26 : memref<!tpu.dma_semaphore, #tpu.memory_space<semaphore_mem>>) src(%dma_wait3A_45 : memref<10000x128xf32, #tpu.memory_space<hbm>>) dst(%arg15 : memref<160x128xf32, #tpu.memory_space<vmem>>)
    %add3A_46 = arith.constant 0 : i32
    %add3A_47 = arith.addi %mul3A_4, %add3A_46 : i32
    %dma_wait3A_48 = tpu.memref_slice %arg3[%add3A_47] : memref<320000xi32, #tpu.memory_space<hbm>> -> memref<160xi32, #tpu.memory_space<hbm>>
    %dma_wait3A_49 = tpu.memref_slice %arg3[%add3A_47] : memref<320000xi32, #tpu.memory_space<hbm>> -> memref<160xi32, #tpu.memory_space<hbm>>
    tpu.wait_dma2 semaphore(%arg22 : memref<!tpu.dma_semaphore, #tpu.memory_space<semaphore_mem>>) src(%dma_wait3A_49 : memref<160xi32, #tpu.memory_space<hbm>>) dst(%arg11 : memref<160xi32, #tpu.memory_space<vmem>>)
    %dma_start3A_50 = arith.constant 0 : i32
    %dma_start3A_51 = arith.constant 0 : i32
    %dma_start3A_52 = tpu.memref_slice %arg17[%dma_start3A_50, %dma_start3A_51] : memref<10240x128xf32, #tpu.memory_space<vmem_shared>> -> memref<10240x128xf32, #tpu.memory_space<vmem_shared>>
    tpu.enqueue_indirect_dma source(%arg15 : memref<160x128xf32, #tpu.memory_space<vmem>>) target(%dma_start3A_52 : memref<10240x128xf32, #tpu.memory_space<vmem_shared>>) offsets(%arg11 : memref<160xi32, #tpu.memory_space<vmem>>) semaphore(%arg28 : memref<!tpu.dma_semaphore, #tpu.memory_space<semaphore_mem>>) {add = true}
    %eq3A_53 = arith.constant 31 : i32
    %eq3A_54 = arith.cmpi eq, %add3A, %eq3A_53 : i32
    %jit3A_55 = arith.constant 16 : i32
    %jit3A_56 = arith.constant 64 : i32
    %select_n3A_57 = arith.select %eq3A_54, %jit3A_55, %jit3A_56 : i32
    %sub3A = arith.constant 4 : i32
    %sub3A_58 = arith.subi %select_n3A_57, %sub3A : i32
    %jit3A_59 = arith.constant 4 : i32
    %div3A = arith.divsi %sub3A_58, %jit3A_59 : i32
    %sign3A = arith.constant 0 : i32
    %sign3A_60 = arith.cmpi sgt, %sub3A_58, %sign3A : i32
    %sign3A_61 = arith.extui %sign3A_60 : i1 to i32
    %sign3A_62 = arith.constant 0 : i32
    %sign3A_63 = arith.cmpi slt, %sub3A_58, %sign3A_62 : i32
    %sign3A_64 = arith.extui %sign3A_63 : i1 to i32
    %sign3A_65 = arith.subi %sign3A_61, %sign3A_64 : i32
    %sign3A_66 = arith.constant 0 : i32
    %sign3A_67 = arith.cmpi sgt, %jit3A_59, %sign3A_66 : i32
    %sign3A_68 = arith.extui %sign3A_67 : i1 to i32
    %sign3A_69 = arith.constant 0 : i32
    %sign3A_70 = arith.cmpi slt, %jit3A_59, %sign3A_69 : i32
    %sign3A_71 = arith.extui %sign3A_70 : i1 to i32
    %sign3A_72 = arith.subi %sign3A_68, %sign3A_71 : i32
    %ne3A = arith.cmpi ne, %sign3A_65, %sign3A_72 : i32
    %rem3A = arith.remsi %sub3A_58, %jit3A_59 : i32
    %ne3A_73 = arith.constant 0 : i32
    %ne3A_74 = arith.cmpi ne, %rem3A, %ne3A_73 : i32
    %and3A = arith.andi %ne3A, %ne3A_74 : i1
    %sub3A_75 = arith.constant 1 : i32
    %sub3A_76 = arith.subi %div3A, %sub3A_75 : i32
    %select_n3A_77 = arith.select %and3A, %sub3A_76, %div3A : i32
    %sub3A_78 = arith.constant 0 : i32
    %sub3A_79 = arith.subi %select_n3A_77, %sub3A_78 : i32
    %sub3A_80 = arith.constant 1 : i32
    %sub3A_81 = arith.constant 1 : i32
    %sub3A_82 = arith.subi %sub3A_80, %sub3A_81 : i32
    %add3A_83 = arith.addi %sub3A_79, %sub3A_82 : i32
    %div3A_84 = arith.constant 1 : i32
    %div3A_85 = arith.divsi %add3A_83, %div3A_84 : i32
    %while3A = arith.constant 1 : i32
    %while3A_86 = arith.constant 0 : i32
    %while3A_87 = arith.constant 0 : i32
    %while3A_88 = arith.subi %div3A_85, %while3A_87 : i32
    %while3A_89 = arith.addi %while3A_87, %while3A_88 : i32
    %while3A_90 = arith.constant 1 : i32
    %while3A_91 = arith.divsi %while3A_88, %while3A_90 : i32
    %while3A_92 = arith.muli %while3A_91, %while3A_90 : i32
    %while3A_93 = arith.addi %while3A_87, %while3A_92 : i32
    %while3A_94 = arith.constant 1 : i32
    scf.for %while3A_171 = %while3A_87 to %while3A_93 step %while3A_94  : i32 {
      %mul3A_172 = arith.muli %while3A_171, %while3A : i32
      %add3A_173 = arith.addi %while3A_86, %mul3A_172 : i32
      %mul3A_174 = arith.constant 4 : i32
      %mul3A_175 = arith.muli %mul3A_174, %add3A_173 : i32
      %add3A_176 = arith.constant 2 : i32
      %add3A_177 = arith.addi %add3A_176, %mul3A_175 : i32
      %add3A_178 = arith.constant 0 : i32
      %add3A_179 = arith.addi %add3A_177, %add3A_178 : i32
      %dma_wait3A_180 = arith.constant 0 : i32
      %dma_wait3A_181 = arith.constant 0 : i32
      %dma_wait3A_182 = tpu.memref_slice %arg17[%dma_wait3A_180, %dma_wait3A_181] : memref<10240x128xf32, #tpu.memory_space<vmem_shared>> -> memref<10240x128xf32, #tpu.memory_space<vmem_shared>>
      tpu.wait_indirect_dma semaphore(%arg28 : memref<!tpu.dma_semaphore, #tpu.memory_space<semaphore_mem>>) src(%arg15 : memref<160x128xf32, #tpu.memory_space<vmem>>) dst(%dma_wait3A_182 : memref<10240x128xf32, #tpu.memory_space<vmem_shared>>)
      %add3A_183 = arith.constant 2 : i32
      %add3A_184 = arith.addi %add3A_179, %add3A_183 : i32
      %mul3A_185 = arith.constant 160 : i32
      %mul3A_186 = arith.muli %add3A_184, %mul3A_185 : i32
      %add3A_187 = arith.addi %mul3A_4, %mul3A_186 : i32
      %dma_start3A_188 = tpu.memref_slice %arg2[%add3A_187] : memref<320000xi32, #tpu.memory_space<hbm>> -> memref<160xi32, #tpu.memory_space<hbm>>
      %dma_start3A_189 = tpu.memref_slice %arg2[%add3A_187] : memref<320000xi32, #tpu.memory_space<hbm>> -> memref<160xi32, #tpu.memory_space<hbm>>
      tpu.enqueue_dma source(%dma_start3A_189 : memref<160xi32, #tpu.memory_space<hbm>>) target(%arg7 : memref<160xi32, #tpu.memory_space<vmem>>) target_semaphore(%arg18 : memref<!tpu.dma_semaphore, #tpu.memory_space<semaphore_mem>>)
      %dma_start3A_190 = tpu.memref_slice %arg3[%add3A_187] : memref<320000xi32, #tpu.memory_space<hbm>> -> memref<160xi32, #tpu.memory_space<hbm>>
      %dma_start3A_191 = tpu.memref_slice %arg3[%add3A_187] : memref<320000xi32, #tpu.memory_space<hbm>> -> memref<160xi32, #tpu.memory_space<hbm>>
      tpu.enqueue_dma source(%dma_start3A_191 : memref<160xi32, #tpu.memory_space<hbm>>) target(%arg11 : memref<160xi32, #tpu.memory_space<vmem>>) target_semaphore(%arg22 : memref<!tpu.dma_semaphore, #tpu.memory_space<semaphore_mem>>)
      %mul3A_192 = arith.constant 160 : i32
      %mul3A_193 = arith.muli %add3A_179, %mul3A_192 : i32
      %add3A_194 = arith.addi %mul3A_4, %mul3A_193 : i32
      %dma_wait3A_195 = tpu.memref_slice %arg2[%add3A_194] : memref<320000xi32, #tpu.memory_space<hbm>> -> memref<160xi32, #tpu.memory_space<hbm>>
      %dma_wait3A_196 = tpu.memref_slice %arg2[%add3A_194] : memref<320000xi32, #tpu.memory_space<hbm>> -> memref<160xi32, #tpu.memory_space<hbm>>
      tpu.wait_dma2 semaphore(%arg20 : memref<!tpu.dma_semaphore, #tpu.memory_space<semaphore_mem>>) src(%dma_wait3A_196 : memref<160xi32, #tpu.memory_space<hbm>>) dst(%arg9 : memref<160xi32, #tpu.memory_space<vmem>>)
      %dma_start3A_197 = arith.constant 0 : i32
      %dma_start3A_198 = arith.constant 0 : i32
      %dma_start3A_199 = tpu.memref_slice %arg4[%dma_start3A_197, %dma_start3A_198] : memref<10000x128xf32, #tpu.memory_space<hbm>> -> memref<10000x128xf32, #tpu.memory_space<hbm>>
      tpu.enqueue_indirect_dma source(%dma_start3A_199 : memref<10000x128xf32, #tpu.memory_space<hbm>>) target(%arg15 : memref<160x128xf32, #tpu.memory_space<vmem>>) offsets(%arg9 : memref<160xi32, #tpu.memory_space<vmem>>) semaphore(%arg26 : memref<!tpu.dma_semaphore, #tpu.memory_space<semaphore_mem>>)
      %dma_wait3A_200 = arith.constant 0 : i32
      %dma_wait3A_201 = arith.constant 0 : i32
      %dma_wait3A_202 = tpu.memref_slice %arg4[%dma_wait3A_200, %dma_wait3A_201] : memref<10000x128xf32, #tpu.memory_space<hbm>> -> memref<10000x128xf32, #tpu.memory_space<hbm>>
      tpu.wait_indirect_dma semaphore(%arg27 : memref<!tpu.dma_semaphore, #tpu.memory_space<semaphore_mem>>) src(%dma_wait3A_202 : memref<10000x128xf32, #tpu.memory_space<hbm>>) dst(%arg16 : memref<160x128xf32, #tpu.memory_space<vmem>>)
      %sub3A_203 = arith.constant 1 : i32
      %sub3A_204 = arith.subi %add3A_179, %sub3A_203 : i32
      %mul3A_205 = arith.constant 160 : i32
      %mul3A_206 = arith.muli %sub3A_204, %mul3A_205 : i32
      %add3A_207 = arith.addi %mul3A_4, %mul3A_206 : i32
      %dma_wait3A_208 = tpu.memref_slice %arg3[%add3A_207] : memref<320000xi32, #tpu.memory_space<hbm>> -> memref<160xi32, #tpu.memory_space<hbm>>
      %dma_wait3A_209 = tpu.memref_slice %arg3[%add3A_207] : memref<320000xi32, #tpu.memory_space<hbm>> -> memref<160xi32, #tpu.memory_space<hbm>>
      tpu.wait_dma2 semaphore(%arg23 : memref<!tpu.dma_semaphore, #tpu.memory_space<semaphore_mem>>) src(%dma_wait3A_209 : memref<160xi32, #tpu.memory_space<hbm>>) dst(%arg12 : memref<160xi32, #tpu.memory_space<vmem>>)
      %dma_start3A_210 = arith.constant 0 : i32
      %dma_start3A_211 = arith.constant 0 : i32
      %dma_start3A_212 = tpu.memref_slice %arg17[%dma_start3A_210, %dma_start3A_211] : memref<10240x128xf32, #tpu.memory_space<vmem_shared>> -> memref<10240x128xf32, #tpu.memory_space<vmem_shared>>
      tpu.enqueue_indirect_dma source(%arg16 : memref<160x128xf32, #tpu.memory_space<vmem>>) target(%dma_start3A_212 : memref<10240x128xf32, #tpu.memory_space<vmem_shared>>) offsets(%arg12 : memref<160xi32, #tpu.memory_space<vmem>>) semaphore(%arg29 : memref<!tpu.dma_semaphore, #tpu.memory_space<semaphore_mem>>) {add = true}
      %mul3A_213 = arith.constant 4 : i32
      %mul3A_214 = arith.muli %mul3A_213, %add3A_173 : i32
      %add3A_215 = arith.constant 2 : i32
      %add3A_216 = arith.addi %add3A_215, %mul3A_214 : i32
      %add3A_217 = arith.constant 1 : i32
      %add3A_218 = arith.addi %add3A_216, %add3A_217 : i32
      %dma_wait3A_219 = arith.constant 0 : i32
      %dma_wait3A_220 = arith.constant 0 : i32
      %dma_wait3A_221 = tpu.memref_slice %arg17[%dma_wait3A_219, %dma_wait3A_220] : memref<10240x128xf32, #tpu.memory_space<vmem_shared>> -> memref<10240x128xf32, #tpu.memory_space<vmem_shared>>
      tpu.wait_indirect_dma semaphore(%arg29 : memref<!tpu.dma_semaphore, #tpu.memory_space<semaphore_mem>>) src(%arg16 : memref<160x128xf32, #tpu.memory_space<vmem>>) dst(%dma_wait3A_221 : memref<10240x128xf32, #tpu.memory_space<vmem_shared>>)
      %add3A_222 = arith.constant 2 : i32
      %add3A_223 = arith.addi %add3A_218, %add3A_222 : i32
      %mul3A_224 = arith.constant 160 : i32
      %mul3A_225 = arith.muli %add3A_223, %mul3A_224 : i32
      %add3A_226 = arith.addi %mul3A_4, %mul3A_225 : i32
      %dma_start3A_227 = tpu.memref_slice %arg2[%add3A_226] : memref<320000xi32, #tpu.memory_space<hbm>> -> memref<160xi32, #tpu.memory_space<hbm>>
      %dma_start3A_228 = tpu.memref_slice %arg2[%add3A_226] : memref<320000xi32, #tpu.memory_space<hbm>> -> memref<160xi32, #tpu.memory_space<hbm>>
      tpu.enqueue_dma source(%dma_start3A_228 : memref<160xi32, #tpu.memory_space<hbm>>) target(%arg8 : memref<160xi32, #tpu.memory_space<vmem>>) target_semaphore(%arg19 : memref<!tpu.dma_semaphore, #tpu.memory_space<semaphore_mem>>)
      %dma_start3A_229 = tpu.memref_slice %arg3[%add3A_226] : memref<320000xi32, #tpu.memory_space<hbm>> -> memref<160xi32, #tpu.memory_space<hbm>>
      %dma_start3A_230 = tpu.memref_slice %arg3[%add3A_226] : memref<320000xi32, #tpu.memory_space<hbm>> -> memref<160xi32, #tpu.memory_space<hbm>>
      tpu.enqueue_dma source(%dma_start3A_230 : memref<160xi32, #tpu.memory_space<hbm>>) target(%arg12 : memref<160xi32, #tpu.memory_space<vmem>>) target_semaphore(%arg23 : memref<!tpu.dma_semaphore, #tpu.memory_space<semaphore_mem>>)
      %mul3A_231 = arith.constant 160 : i32
      %mul3A_232 = arith.muli %add3A_218, %mul3A_231 : i32
      %add3A_233 = arith.addi %mul3A_4, %mul3A_232 : i32
      %dma_wait3A_234 = tpu.memref_slice %arg2[%add3A_233] : memref<320000xi32, #tpu.memory_space<hbm>> -> memref<160xi32, #tpu.memory_space<hbm>>
      %dma_wait3A_235 = tpu.memref_slice %arg2[%add3A_233] : memref<320000xi32, #tpu.memory_space<hbm>> -> memref<160xi32, #tpu.memory_space<hbm>>
      tpu.wait_dma2 semaphore(%arg21 : memref<!tpu.dma_semaphore, #tpu.memory_space<semaphore_mem>>) src(%dma_wait3A_235 : memref<160xi32, #tpu.memory_space<hbm>>) dst(%arg10 : memref<160xi32, #tpu.memory_space<vmem>>)
      %dma_start3A_236 = arith.constant 0 : i32
      %dma_start3A_237 = arith.constant 0 : i32
      %dma_start3A_238 = tpu.memref_slice %arg4[%dma_start3A_236, %dma_start3A_237] : memref<10000x128xf32, #tpu.memory_space<hbm>> -> memref<10000x128xf32, #tpu.memory_space<hbm>>
      tpu.enqueue_indirect_dma source(%dma_start3A_238 : memref<10000x128xf32, #tpu.memory_space<hbm>>) target(%arg16 : memref<160x128xf32, #tpu.memory_space<vmem>>) offsets(%arg10 : memref<160xi32, #tpu.memory_space<vmem>>) semaphore(%arg27 : memref<!tpu.dma_semaphore, #tpu.memory_space<semaphore_mem>>)
      %dma_wait3A_239 = arith.constant 0 : i32
      %dma_wait3A_240 = arith.constant 0 : i32
      %dma_wait3A_241 = tpu.memref_slice %arg4[%dma_wait3A_239, %dma_wait3A_240] : memref<10000x128xf32, #tpu.memory_space<hbm>> -> memref<10000x128xf32, #tpu.memory_space<hbm>>
      tpu.wait_indirect_dma semaphore(%arg26 : memref<!tpu.dma_semaphore, #tpu.memory_space<semaphore_mem>>) src(%dma_wait3A_241 : memref<10000x128xf32, #tpu.memory_space<hbm>>) dst(%arg15 : memref<160x128xf32, #tpu.memory_space<vmem>>)
      %sub3A_242 = arith.constant 1 : i32
      %sub3A_243 = arith.subi %add3A_218, %sub3A_242 : i32
      %mul3A_244 = arith.constant 160 : i32
      %mul3A_245 = arith.muli %sub3A_243, %mul3A_244 : i32
      %add3A_246 = arith.addi %mul3A_4, %mul3A_245 : i32
      %dma_wait3A_247 = tpu.memref_slice %arg3[%add3A_246] : memref<320000xi32, #tpu.memory_space<hbm>> -> memref<160xi32, #tpu.memory_space<hbm>>
      %dma_wait3A_248 = tpu.memref_slice %arg3[%add3A_246] : memref<320000xi32, #tpu.memory_space<hbm>> -> memref<160xi32, #tpu.memory_space<hbm>>
      tpu.wait_dma2 semaphore(%arg24 : memref<!tpu.dma_semaphore, #tpu.memory_space<semaphore_mem>>) src(%dma_wait3A_248 : memref<160xi32, #tpu.memory_space<hbm>>) dst(%arg13 : memref<160xi32, #tpu.memory_space<vmem>>)
      %dma_start3A_249 = arith.constant 0 : i32
      %dma_start3A_250 = arith.constant 0 : i32
      %dma_start3A_251 = tpu.memref_slice %arg17[%dma_start3A_249, %dma_start3A_250] : memref<10240x128xf32, #tpu.memory_space<vmem_shared>> -> memref<10240x128xf32, #tpu.memory_space<vmem_shared>>
      tpu.enqueue_indirect_dma source(%arg15 : memref<160x128xf32, #tpu.memory_space<vmem>>) target(%dma_start3A_251 : memref<10240x128xf32, #tpu.memory_space<vmem_shared>>) offsets(%arg13 : memref<160xi32, #tpu.memory_space<vmem>>) semaphore(%arg28 : memref<!tpu.dma_semaphore, #tpu.memory_space<semaphore_mem>>) {add = true}
      %mul3A_252 = arith.constant 4 : i32
      %mul3A_253 = arith.muli %mul3A_252, %add3A_173 : i32
      %add3A_254 = arith.constant 2 : i32
      %add3A_255 = arith.addi %add3A_254, %mul3A_253 : i32
      %add3A_256 = arith.constant 2 : i32
      %add3A_257 = arith.addi %add3A_255, %add3A_256 : i32
      %dma_wait3A_258 = arith.constant 0 : i32
      %dma_wait3A_259 = arith.constant 0 : i32
      %dma_wait3A_260 = tpu.memref_slice %arg17[%dma_wait3A_258, %dma_wait3A_259] : memref<10240x128xf32, #tpu.memory_space<vmem_shared>> -> memref<10240x128xf32, #tpu.memory_space<vmem_shared>>
      tpu.wait_indirect_dma semaphore(%arg28 : memref<!tpu.dma_semaphore, #tpu.memory_space<semaphore_mem>>) src(%arg15 : memref<160x128xf32, #tpu.memory_space<vmem>>) dst(%dma_wait3A_260 : memref<10240x128xf32, #tpu.memory_space<vmem_shared>>)
      %add3A_261 = arith.constant 2 : i32
      %add3A_262 = arith.addi %add3A_257, %add3A_261 : i32
      %mul3A_263 = arith.constant 160 : i32
      %mul3A_264 = arith.muli %add3A_262, %mul3A_263 : i32
      %add3A_265 = arith.addi %mul3A_4, %mul3A_264 : i32
      %dma_start3A_266 = tpu.memref_slice %arg2[%add3A_265] : memref<320000xi32, #tpu.memory_space<hbm>> -> memref<160xi32, #tpu.memory_space<hbm>>
      %dma_start3A_267 = tpu.memref_slice %arg2[%add3A_265] : memref<320000xi32, #tpu.memory_space<hbm>> -> memref<160xi32, #tpu.memory_space<hbm>>
      tpu.enqueue_dma source(%dma_start3A_267 : memref<160xi32, #tpu.memory_space<hbm>>) target(%arg9 : memref<160xi32, #tpu.memory_space<vmem>>) target_semaphore(%arg20 : memref<!tpu.dma_semaphore, #tpu.memory_space<semaphore_mem>>)
      %dma_start3A_268 = tpu.memref_slice %arg3[%add3A_265] : memref<320000xi32, #tpu.memory_space<hbm>> -> memref<160xi32, #tpu.memory_space<hbm>>
      %dma_start3A_269 = tpu.memref_slice %arg3[%add3A_265] : memref<320000xi32, #tpu.memory_space<hbm>> -> memref<160xi32, #tpu.memory_space<hbm>>
      tpu.enqueue_dma source(%dma_start3A_269 : memref<160xi32, #tpu.memory_space<hbm>>) target(%arg13 : memref<160xi32, #tpu.memory_space<vmem>>) target_semaphore(%arg24 : memref<!tpu.dma_semaphore, #tpu.memory_space<semaphore_mem>>)
      %mul3A_270 = arith.constant 160 : i32
      %mul3A_271 = arith.muli %add3A_257, %mul3A_270 : i32
      %add3A_272 = arith.addi %mul3A_4, %mul3A_271 : i32
      %dma_wait3A_273 = tpu.memref_slice %arg2[%add3A_272] : memref<320000xi32, #tpu.memory_space<hbm>> -> memref<160xi32, #tpu.memory_space<hbm>>
      %dma_wait3A_274 = tpu.memref_slice %arg2[%add3A_272] : memref<320000xi32, #tpu.memory_space<hbm>> -> memref<160xi32, #tpu.memory_space<hbm>>
      tpu.wait_dma2 semaphore(%arg18 : memref<!tpu.dma_semaphore, #tpu.memory_space<semaphore_mem>>) src(%dma_wait3A_274 : memref<160xi32, #tpu.memory_space<hbm>>) dst(%arg7 : memref<160xi32, #tpu.memory_space<vmem>>)
      %dma_start3A_275 = arith.constant 0 : i32
      %dma_start3A_276 = arith.constant 0 : i32
      %dma_start3A_277 = tpu.memref_slice %arg4[%dma_start3A_275, %dma_start3A_276] : memref<10000x128xf32, #tpu.memory_space<hbm>> -> memref<10000x128xf32, #tpu.memory_space<hbm>>
      tpu.enqueue_indirect_dma source(%dma_start3A_277 : memref<10000x128xf32, #tpu.memory_space<hbm>>) target(%arg15 : memref<160x128xf32, #tpu.memory_space<vmem>>) offsets(%arg7 : memref<160xi32, #tpu.memory_space<vmem>>) semaphore(%arg26 : memref<!tpu.dma_semaphore, #tpu.memory_space<semaphore_mem>>)
      %dma_wait3A_278 = arith.constant 0 : i32
      %dma_wait3A_279 = arith.constant 0 : i32
      %dma_wait3A_280 = tpu.memref_slice %arg4[%dma_wait3A_278, %dma_wait3A_279] : memref<10000x128xf32, #tpu.memory_space<hbm>> -> memref<10000x128xf32, #tpu.memory_space<hbm>>
      tpu.wait_indirect_dma semaphore(%arg27 : memref<!tpu.dma_semaphore, #tpu.memory_space<semaphore_mem>>) src(%dma_wait3A_280 : memref<10000x128xf32, #tpu.memory_space<hbm>>) dst(%arg16 : memref<160x128xf32, #tpu.memory_space<vmem>>)
      %sub3A_281 = arith.constant 1 : i32
      %sub3A_282 = arith.subi %add3A_257, %sub3A_281 : i32
      %mul3A_283 = arith.constant 160 : i32
      %mul3A_284 = arith.muli %sub3A_282, %mul3A_283 : i32
      %add3A_285 = arith.addi %mul3A_4, %mul3A_284 : i32
      %dma_wait3A_286 = tpu.memref_slice %arg3[%add3A_285] : memref<320000xi32, #tpu.memory_space<hbm>> -> memref<160xi32, #tpu.memory_space<hbm>>
      %dma_wait3A_287 = tpu.memref_slice %arg3[%add3A_285] : memref<320000xi32, #tpu.memory_space<hbm>> -> memref<160xi32, #tpu.memory_space<hbm>>
      tpu.wait_dma2 semaphore(%arg25 : memref<!tpu.dma_semaphore, #tpu.memory_space<semaphore_mem>>) src(%dma_wait3A_287 : memref<160xi32, #tpu.memory_space<hbm>>) dst(%arg14 : memref<160xi32, #tpu.memory_space<vmem>>)
      %dma_start3A_288 = arith.constant 0 : i32
      %dma_start3A_289 = arith.constant 0 : i32
      %dma_start3A_290 = tpu.memref_slice %arg17[%dma_start3A_288, %dma_start3A_289] : memref<10240x128xf32, #tpu.memory_space<vmem_shared>> -> memref<10240x128xf32, #tpu.memory_space<vmem_shared>>
      tpu.enqueue_indirect_dma source(%arg16 : memref<160x128xf32, #tpu.memory_space<vmem>>) target(%dma_start3A_290 : memref<10240x128xf32, #tpu.memory_space<vmem_shared>>) offsets(%arg14 : memref<160xi32, #tpu.memory_space<vmem>>) semaphore(%arg29 : memref<!tpu.dma_semaphore, #tpu.memory_space<semaphore_mem>>) {add = true}
      %mul3A_291 = arith.constant 4 : i32
      %mul3A_292 = arith.muli %mul3A_291, %add3A_173 : i32
      %add3A_293 = arith.constant 2 : i32
      %add3A_294 = arith.addi %add3A_293, %mul3A_292 : i32
      %add3A_295 = arith.constant 3 : i32
      %add3A_296 = arith.addi %add3A_294, %add3A_295 : i32
      %dma_wait3A_297 = arith.constant 0 : i32
      %dma_wait3A_298 = arith.constant 0 : i32
      %dma_wait3A_299 = tpu.memref_slice %arg17[%dma_wait3A_297, %dma_wait3A_298] : memref<10240x128xf32, #tpu.memory_space<vmem_shared>> -> memref<10240x128xf32, #tpu.memory_space<vmem_shared>>
      tpu.wait_indirect_dma semaphore(%arg29 : memref<!tpu.dma_semaphore, #tpu.memory_space<semaphore_mem>>) src(%arg16 : memref<160x128xf32, #tpu.memory_space<vmem>>) dst(%dma_wait3A_299 : memref<10240x128xf32, #tpu.memory_space<vmem_shared>>)
      %add3A_300 = arith.constant 2 : i32
      %add3A_301 = arith.addi %add3A_296, %add3A_300 : i32
      %mul3A_302 = arith.constant 160 : i32
      %mul3A_303 = arith.muli %add3A_301, %mul3A_302 : i32
      %add3A_304 = arith.addi %mul3A_4, %mul3A_303 : i32
      %dma_start3A_305 = tpu.memref_slice %arg2[%add3A_304] : memref<320000xi32, #tpu.memory_space<hbm>> -> memref<160xi32, #tpu.memory_space<hbm>>
      %dma_start3A_306 = tpu.memref_slice %arg2[%add3A_304] : memref<320000xi32, #tpu.memory_space<hbm>> -> memref<160xi32, #tpu.memory_space<hbm>>
      tpu.enqueue_dma source(%dma_start3A_306 : memref<160xi32, #tpu.memory_space<hbm>>) target(%arg10 : memref<160xi32, #tpu.memory_space<vmem>>) target_semaphore(%arg21 : memref<!tpu.dma_semaphore, #tpu.memory_space<semaphore_mem>>)
      %dma_start3A_307 = tpu.memref_slice %arg3[%add3A_304] : memref<320000xi32, #tpu.memory_space<hbm>> -> memref<160xi32, #tpu.memory_space<hbm>>
      %dma_start3A_308 = tpu.memref_slice %arg3[%add3A_304] : memref<320000xi32, #tpu.memory_space<hbm>> -> memref<160xi32, #tpu.memory_space<hbm>>
      tpu.enqueue_dma source(%dma_start3A_308 : memref<160xi32, #tpu.memory_space<hbm>>) target(%arg14 : memref<160xi32, #tpu.memory_space<vmem>>) target_semaphore(%arg25 : memref<!tpu.dma_semaphore, #tpu.memory_space<semaphore_mem>>)
      %mul3A_309 = arith.constant 160 : i32
      %mul3A_310 = arith.muli %add3A_296, %mul3A_309 : i32
      %add3A_311 = arith.addi %mul3A_4, %mul3A_310 : i32
      %dma_wait3A_312 = tpu.memref_slice %arg2[%add3A_311] : memref<320000xi32, #tpu.memory_space<hbm>> -> memref<160xi32, #tpu.memory_space<hbm>>
      %dma_wait3A_313 = tpu.memref_slice %arg2[%add3A_311] : memref<320000xi32, #tpu.memory_space<hbm>> -> memref<160xi32, #tpu.memory_space<hbm>>
      tpu.wait_dma2 semaphore(%arg19 : memref<!tpu.dma_semaphore, #tpu.memory_space<semaphore_mem>>) src(%dma_wait3A_313 : memref<160xi32, #tpu.memory_space<hbm>>) dst(%arg8 : memref<160xi32, #tpu.memory_space<vmem>>)
      %dma_start3A_314 = arith.constant 0 : i32
      %dma_start3A_315 = arith.constant 0 : i32
      %dma_start3A_316 = tpu.memref_slice %arg4[%dma_start3A_314, %dma_start3A_315] : memref<10000x128xf32, #tpu.memory_space<hbm>> -> memref<10000x128xf32, #tpu.memory_space<hbm>>
      tpu.enqueue_indirect_dma source(%dma_start3A_316 : memref<10000x128xf32, #tpu.memory_space<hbm>>) target(%arg16 : memref<160x128xf32, #tpu.memory_space<vmem>>) offsets(%arg8 : memref<160xi32, #tpu.memory_space<vmem>>) semaphore(%arg27 : memref<!tpu.dma_semaphore, #tpu.memory_space<semaphore_mem>>)
      %dma_wait3A_317 = arith.constant 0 : i32
      %dma_wait3A_318 = arith.constant 0 : i32
      %dma_wait3A_319 = tpu.memref_slice %arg4[%dma_wait3A_317, %dma_wait3A_318] : memref<10000x128xf32, #tpu.memory_space<hbm>> -> memref<10000x128xf32, #tpu.memory_space<hbm>>
      tpu.wait_indirect_dma semaphore(%arg26 : memref<!tpu.dma_semaphore, #tpu.memory_space<semaphore_mem>>) src(%dma_wait3A_319 : memref<10000x128xf32, #tpu.memory_space<hbm>>) dst(%arg15 : memref<160x128xf32, #tpu.memory_space<vmem>>)
      %sub3A_320 = arith.constant 1 : i32
      %sub3A_321 = arith.subi %add3A_296, %sub3A_320 : i32
      %mul3A_322 = arith.constant 160 : i32
      %mul3A_323 = arith.muli %sub3A_321, %mul3A_322 : i32
      %add3A_324 = arith.addi %mul3A_4, %mul3A_323 : i32
      %dma_wait3A_325 = tpu.memref_slice %arg3[%add3A_324] : memref<320000xi32, #tpu.memory_space<hbm>> -> memref<160xi32, #tpu.memory_space<hbm>>
      %dma_wait3A_326 = tpu.memref_slice %arg3[%add3A_324] : memref<320000xi32, #tpu.memory_space<hbm>> -> memref<160xi32, #tpu.memory_space<hbm>>
      tpu.wait_dma2 semaphore(%arg22 : memref<!tpu.dma_semaphore, #tpu.memory_space<semaphore_mem>>) src(%dma_wait3A_326 : memref<160xi32, #tpu.memory_space<hbm>>) dst(%arg11 : memref<160xi32, #tpu.memory_space<vmem>>)
      %dma_start3A_327 = arith.constant 0 : i32
      %dma_start3A_328 = arith.constant 0 : i32
      %dma_start3A_329 = tpu.memref_slice %arg17[%dma_start3A_327, %dma_start3A_328] : memref<10240x128xf32, #tpu.memory_space<vmem_shared>> -> memref<10240x128xf32, #tpu.memory_space<vmem_shared>>
      tpu.enqueue_indirect_dma source(%arg15 : memref<160x128xf32, #tpu.memory_space<vmem>>) target(%dma_start3A_329 : memref<10240x128xf32, #tpu.memory_space<vmem_shared>>) offsets(%arg11 : memref<160xi32, #tpu.memory_space<vmem>>) semaphore(%arg28 : memref<!tpu.dma_semaphore, #tpu.memory_space<semaphore_mem>>) {add = true}
    }
    %while3A_95 = arith.constant 1 : i32
    scf.for %while3A_171 = %while3A_93 to %while3A_89 step %while3A_95  : i32 {
      %mul3A_172 = arith.muli %while3A_171, %while3A : i32
      %add3A_173 = arith.addi %while3A_86, %mul3A_172 : i32
      %mul3A_174 = arith.constant 4 : i32
      %mul3A_175 = arith.muli %mul3A_174, %add3A_173 : i32
      %add3A_176 = arith.constant 2 : i32
      %add3A_177 = arith.addi %add3A_176, %mul3A_175 : i32
      %add3A_178 = arith.constant 0 : i32
      %add3A_179 = arith.addi %add3A_177, %add3A_178 : i32
      %dma_wait3A_180 = arith.constant 0 : i32
      %dma_wait3A_181 = arith.constant 0 : i32
      %dma_wait3A_182 = tpu.memref_slice %arg17[%dma_wait3A_180, %dma_wait3A_181] : memref<10240x128xf32, #tpu.memory_space<vmem_shared>> -> memref<10240x128xf32, #tpu.memory_space<vmem_shared>>
      tpu.wait_indirect_dma semaphore(%arg28 : memref<!tpu.dma_semaphore, #tpu.memory_space<semaphore_mem>>) src(%arg15 : memref<160x128xf32, #tpu.memory_space<vmem>>) dst(%dma_wait3A_182 : memref<10240x128xf32, #tpu.memory_space<vmem_shared>>)
      %add3A_183 = arith.constant 2 : i32
      %add3A_184 = arith.addi %add3A_179, %add3A_183 : i32
      %mul3A_185 = arith.constant 160 : i32
      %mul3A_186 = arith.muli %add3A_184, %mul3A_185 : i32
      %add3A_187 = arith.addi %mul3A_4, %mul3A_186 : i32
      %dma_start3A_188 = tpu.memref_slice %arg2[%add3A_187] : memref<320000xi32, #tpu.memory_space<hbm>> -> memref<160xi32, #tpu.memory_space<hbm>>
      %dma_start3A_189 = tpu.memref_slice %arg2[%add3A_187] : memref<320000xi32, #tpu.memory_space<hbm>> -> memref<160xi32, #tpu.memory_space<hbm>>
      tpu.enqueue_dma source(%dma_start3A_189 : memref<160xi32, #tpu.memory_space<hbm>>) target(%arg7 : memref<160xi32, #tpu.memory_space<vmem>>) target_semaphore(%arg18 : memref<!tpu.dma_semaphore, #tpu.memory_space<semaphore_mem>>)
      %dma_start3A_190 = tpu.memref_slice %arg3[%add3A_187] : memref<320000xi32, #tpu.memory_space<hbm>> -> memref<160xi32, #tpu.memory_space<hbm>>
      %dma_start3A_191 = tpu.memref_slice %arg3[%add3A_187] : memref<320000xi32, #tpu.memory_space<hbm>> -> memref<160xi32, #tpu.memory_space<hbm>>
      tpu.enqueue_dma source(%dma_start3A_191 : memref<160xi32, #tpu.memory_space<hbm>>) target(%arg11 : memref<160xi32, #tpu.memory_space<vmem>>) target_semaphore(%arg22 : memref<!tpu.dma_semaphore, #tpu.memory_space<semaphore_mem>>)
      %mul3A_192 = arith.constant 160 : i32
      %mul3A_193 = arith.muli %add3A_179, %mul3A_192 : i32
      %add3A_194 = arith.addi %mul3A_4, %mul3A_193 : i32
      %dma_wait3A_195 = tpu.memref_slice %arg2[%add3A_194] : memref<320000xi32, #tpu.memory_space<hbm>> -> memref<160xi32, #tpu.memory_space<hbm>>
      %dma_wait3A_196 = tpu.memref_slice %arg2[%add3A_194] : memref<320000xi32, #tpu.memory_space<hbm>> -> memref<160xi32, #tpu.memory_space<hbm>>
      tpu.wait_dma2 semaphore(%arg20 : memref<!tpu.dma_semaphore, #tpu.memory_space<semaphore_mem>>) src(%dma_wait3A_196 : memref<160xi32, #tpu.memory_space<hbm>>) dst(%arg9 : memref<160xi32, #tpu.memory_space<vmem>>)
      %dma_start3A_197 = arith.constant 0 : i32
      %dma_start3A_198 = arith.constant 0 : i32
      %dma_start3A_199 = tpu.memref_slice %arg4[%dma_start3A_197, %dma_start3A_198] : memref<10000x128xf32, #tpu.memory_space<hbm>> -> memref<10000x128xf32, #tpu.memory_space<hbm>>
      tpu.enqueue_indirect_dma source(%dma_start3A_199 : memref<10000x128xf32, #tpu.memory_space<hbm>>) target(%arg15 : memref<160x128xf32, #tpu.memory_space<vmem>>) offsets(%arg9 : memref<160xi32, #tpu.memory_space<vmem>>) semaphore(%arg26 : memref<!tpu.dma_semaphore, #tpu.memory_space<semaphore_mem>>)
      %dma_wait3A_200 = arith.constant 0 : i32
      %dma_wait3A_201 = arith.constant 0 : i32
      %dma_wait3A_202 = tpu.memref_slice %arg4[%dma_wait3A_200, %dma_wait3A_201] : memref<10000x128xf32, #tpu.memory_space<hbm>> -> memref<10000x128xf32, #tpu.memory_space<hbm>>
      tpu.wait_indirect_dma semaphore(%arg27 : memref<!tpu.dma_semaphore, #tpu.memory_space<semaphore_mem>>) src(%dma_wait3A_202 : memref<10000x128xf32, #tpu.memory_space<hbm>>) dst(%arg16 : memref<160x128xf32, #tpu.memory_space<vmem>>)
      %sub3A_203 = arith.constant 1 : i32
      %sub3A_204 = arith.subi %add3A_179, %sub3A_203 : i32
      %mul3A_205 = arith.constant 160 : i32
      %mul3A_206 = arith.muli %sub3A_204, %mul3A_205 : i32
      %add3A_207 = arith.addi %mul3A_4, %mul3A_206 : i32
      %dma_wait3A_208 = tpu.memref_slice %arg3[%add3A_207] : memref<320000xi32, #tpu.memory_space<hbm>> -> memref<160xi32, #tpu.memory_space<hbm>>
      %dma_wait3A_209 = tpu.memref_slice %arg3[%add3A_207] : memref<320000xi32, #tpu.memory_space<hbm>> -> memref<160xi32, #tpu.memory_space<hbm>>
      tpu.wait_dma2 semaphore(%arg23 : memref<!tpu.dma_semaphore, #tpu.memory_space<semaphore_mem>>) src(%dma_wait3A_209 : memref<160xi32, #tpu.memory_space<hbm>>) dst(%arg12 : memref<160xi32, #tpu.memory_space<vmem>>)
      %dma_start3A_210 = arith.constant 0 : i32
      %dma_start3A_211 = arith.constant 0 : i32
      %dma_start3A_212 = tpu.memref_slice %arg17[%dma_start3A_210, %dma_start3A_211] : memref<10240x128xf32, #tpu.memory_space<vmem_shared>> -> memref<10240x128xf32, #tpu.memory_space<vmem_shared>>
      tpu.enqueue_indirect_dma source(%arg16 : memref<160x128xf32, #tpu.memory_space<vmem>>) target(%dma_start3A_212 : memref<10240x128xf32, #tpu.memory_space<vmem_shared>>) offsets(%arg12 : memref<160xi32, #tpu.memory_space<vmem>>) semaphore(%arg29 : memref<!tpu.dma_semaphore, #tpu.memory_space<semaphore_mem>>) {add = true}
      %mul3A_213 = arith.constant 4 : i32
      %mul3A_214 = arith.muli %mul3A_213, %add3A_173 : i32
      %add3A_215 = arith.constant 2 : i32
      %add3A_216 = arith.addi %add3A_215, %mul3A_214 : i32
      %add3A_217 = arith.constant 1 : i32
      %add3A_218 = arith.addi %add3A_216, %add3A_217 : i32
      %dma_wait3A_219 = arith.constant 0 : i32
      %dma_wait3A_220 = arith.constant 0 : i32
      %dma_wait3A_221 = tpu.memref_slice %arg17[%dma_wait3A_219, %dma_wait3A_220] : memref<10240x128xf32, #tpu.memory_space<vmem_shared>> -> memref<10240x128xf32, #tpu.memory_space<vmem_shared>>
      tpu.wait_indirect_dma semaphore(%arg29 : memref<!tpu.dma_semaphore, #tpu.memory_space<semaphore_mem>>) src(%arg16 : memref<160x128xf32, #tpu.memory_space<vmem>>) dst(%dma_wait3A_221 : memref<10240x128xf32, #tpu.memory_space<vmem_shared>>)
      %add3A_222 = arith.constant 2 : i32
      %add3A_223 = arith.addi %add3A_218, %add3A_222 : i32
      %mul3A_224 = arith.constant 160 : i32
      %mul3A_225 = arith.muli %add3A_223, %mul3A_224 : i32
      %add3A_226 = arith.addi %mul3A_4, %mul3A_225 : i32
      %dma_start3A_227 = tpu.memref_slice %arg2[%add3A_226] : memref<320000xi32, #tpu.memory_space<hbm>> -> memref<160xi32, #tpu.memory_space<hbm>>
      %dma_start3A_228 = tpu.memref_slice %arg2[%add3A_226] : memref<320000xi32, #tpu.memory_space<hbm>> -> memref<160xi32, #tpu.memory_space<hbm>>
      tpu.enqueue_dma source(%dma_start3A_228 : memref<160xi32, #tpu.memory_space<hbm>>) target(%arg8 : memref<160xi32, #tpu.memory_space<vmem>>) target_semaphore(%arg19 : memref<!tpu.dma_semaphore, #tpu.memory_space<semaphore_mem>>)
      %dma_start3A_229 = tpu.memref_slice %arg3[%add3A_226] : memref<320000xi32, #tpu.memory_space<hbm>> -> memref<160xi32, #tpu.memory_space<hbm>>
      %dma_start3A_230 = tpu.memref_slice %arg3[%add3A_226] : memref<320000xi32, #tpu.memory_space<hbm>> -> memref<160xi32, #tpu.memory_space<hbm>>
      tpu.enqueue_dma source(%dma_start3A_230 : memref<160xi32, #tpu.memory_space<hbm>>) target(%arg12 : memref<160xi32, #tpu.memory_space<vmem>>) target_semaphore(%arg23 : memref<!tpu.dma_semaphore, #tpu.memory_space<semaphore_mem>>)
      %mul3A_231 = arith.constant 160 : i32
      %mul3A_232 = arith.muli %add3A_218, %mul3A_231 : i32
      %add3A_233 = arith.addi %mul3A_4, %mul3A_232 : i32
      %dma_wait3A_234 = tpu.memref_slice %arg2[%add3A_233] : memref<320000xi32, #tpu.memory_space<hbm>> -> memref<160xi32, #tpu.memory_space<hbm>>
      %dma_wait3A_235 = tpu.memref_slice %arg2[%add3A_233] : memref<320000xi32, #tpu.memory_space<hbm>> -> memref<160xi32, #tpu.memory_space<hbm>>
      tpu.wait_dma2 semaphore(%arg21 : memref<!tpu.dma_semaphore, #tpu.memory_space<semaphore_mem>>) src(%dma_wait3A_235 : memref<160xi32, #tpu.memory_space<hbm>>) dst(%arg10 : memref<160xi32, #tpu.memory_space<vmem>>)
      %dma_start3A_236 = arith.constant 0 : i32
      %dma_start3A_237 = arith.constant 0 : i32
      %dma_start3A_238 = tpu.memref_slice %arg4[%dma_start3A_236, %dma_start3A_237] : memref<10000x128xf32, #tpu.memory_space<hbm>> -> memref<10000x128xf32, #tpu.memory_space<hbm>>
      tpu.enqueue_indirect_dma source(%dma_start3A_238 : memref<10000x128xf32, #tpu.memory_space<hbm>>) target(%arg16 : memref<160x128xf32, #tpu.memory_space<vmem>>) offsets(%arg10 : memref<160xi32, #tpu.memory_space<vmem>>) semaphore(%arg27 : memref<!tpu.dma_semaphore, #tpu.memory_space<semaphore_mem>>)
      %dma_wait3A_239 = arith.constant 0 : i32
      %dma_wait3A_240 = arith.constant 0 : i32
      %dma_wait3A_241 = tpu.memref_slice %arg4[%dma_wait3A_239, %dma_wait3A_240] : memref<10000x128xf32, #tpu.memory_space<hbm>> -> memref<10000x128xf32, #tpu.memory_space<hbm>>
      tpu.wait_indirect_dma semaphore(%arg26 : memref<!tpu.dma_semaphore, #tpu.memory_space<semaphore_mem>>) src(%dma_wait3A_241 : memref<10000x128xf32, #tpu.memory_space<hbm>>) dst(%arg15 : memref<160x128xf32, #tpu.memory_space<vmem>>)
      %sub3A_242 = arith.constant 1 : i32
      %sub3A_243 = arith.subi %add3A_218, %sub3A_242 : i32
      %mul3A_244 = arith.constant 160 : i32
      %mul3A_245 = arith.muli %sub3A_243, %mul3A_244 : i32
      %add3A_246 = arith.addi %mul3A_4, %mul3A_245 : i32
      %dma_wait3A_247 = tpu.memref_slice %arg3[%add3A_246] : memref<320000xi32, #tpu.memory_space<hbm>> -> memref<160xi32, #tpu.memory_space<hbm>>
      %dma_wait3A_248 = tpu.memref_slice %arg3[%add3A_246] : memref<320000xi32, #tpu.memory_space<hbm>> -> memref<160xi32, #tpu.memory_space<hbm>>
      tpu.wait_dma2 semaphore(%arg24 : memref<!tpu.dma_semaphore, #tpu.memory_space<semaphore_mem>>) src(%dma_wait3A_248 : memref<160xi32, #tpu.memory_space<hbm>>) dst(%arg13 : memref<160xi32, #tpu.memory_space<vmem>>)
      %dma_start3A_249 = arith.constant 0 : i32
      %dma_start3A_250 = arith.constant 0 : i32
      %dma_start3A_251 = tpu.memref_slice %arg17[%dma_start3A_249, %dma_start3A_250] : memref<10240x128xf32, #tpu.memory_space<vmem_shared>> -> memref<10240x128xf32, #tpu.memory_space<vmem_shared>>
      tpu.enqueue_indirect_dma source(%arg15 : memref<160x128xf32, #tpu.memory_space<vmem>>) target(%dma_start3A_251 : memref<10240x128xf32, #tpu.memory_space<vmem_shared>>) offsets(%arg13 : memref<160xi32, #tpu.memory_space<vmem>>) semaphore(%arg28 : memref<!tpu.dma_semaphore, #tpu.memory_space<semaphore_mem>>) {add = true}
      %mul3A_252 = arith.constant 4 : i32
      %mul3A_253 = arith.muli %mul3A_252, %add3A_173 : i32
      %add3A_254 = arith.constant 2 : i32
      %add3A_255 = arith.addi %add3A_254, %mul3A_253 : i32
      %add3A_256 = arith.constant 2 : i32
      %add3A_257 = arith.addi %add3A_255, %add3A_256 : i32
      %dma_wait3A_258 = arith.constant 0 : i32
      %dma_wait3A_259 = arith.constant 0 : i32
      %dma_wait3A_260 = tpu.memref_slice %arg17[%dma_wait3A_258, %dma_wait3A_259] : memref<10240x128xf32, #tpu.memory_space<vmem_shared>> -> memref<10240x128xf32, #tpu.memory_space<vmem_shared>>
      tpu.wait_indirect_dma semaphore(%arg28 : memref<!tpu.dma_semaphore, #tpu.memory_space<semaphore_mem>>) src(%arg15 : memref<160x128xf32, #tpu.memory_space<vmem>>) dst(%dma_wait3A_260 : memref<10240x128xf32, #tpu.memory_space<vmem_shared>>)
      %add3A_261 = arith.constant 2 : i32
      %add3A_262 = arith.addi %add3A_257, %add3A_261 : i32
      %mul3A_263 = arith.constant 160 : i32
      %mul3A_264 = arith.muli %add3A_262, %mul3A_263 : i32
      %add3A_265 = arith.addi %mul3A_4, %mul3A_264 : i32
      %dma_start3A_266 = tpu.memref_slice %arg2[%add3A_265] : memref<320000xi32, #tpu.memory_space<hbm>> -> memref<160xi32, #tpu.memory_space<hbm>>
      %dma_start3A_267 = tpu.memref_slice %arg2[%add3A_265] : memref<320000xi32, #tpu.memory_space<hbm>> -> memref<160xi32, #tpu.memory_space<hbm>>
      tpu.enqueue_dma source(%dma_start3A_267 : memref<160xi32, #tpu.memory_space<hbm>>) target(%arg9 : memref<160xi32, #tpu.memory_space<vmem>>) target_semaphore(%arg20 : memref<!tpu.dma_semaphore, #tpu.memory_space<semaphore_mem>>)
      %dma_start3A_268 = tpu.memref_slice %arg3[%add3A_265] : memref<320000xi32, #tpu.memory_space<hbm>> -> memref<160xi32, #tpu.memory_space<hbm>>
      %dma_start3A_269 = tpu.memref_slice %arg3[%add3A_265] : memref<320000xi32, #tpu.memory_space<hbm>> -> memref<160xi32, #tpu.memory_space<hbm>>
      tpu.enqueue_dma source(%dma_start3A_269 : memref<160xi32, #tpu.memory_space<hbm>>) target(%arg13 : memref<160xi32, #tpu.memory_space<vmem>>) target_semaphore(%arg24 : memref<!tpu.dma_semaphore, #tpu.memory_space<semaphore_mem>>)
      %mul3A_270 = arith.constant 160 : i32
      %mul3A_271 = arith.muli %add3A_257, %mul3A_270 : i32
      %add3A_272 = arith.addi %mul3A_4, %mul3A_271 : i32
      %dma_wait3A_273 = tpu.memref_slice %arg2[%add3A_272] : memref<320000xi32, #tpu.memory_space<hbm>> -> memref<160xi32, #tpu.memory_space<hbm>>
      %dma_wait3A_274 = tpu.memref_slice %arg2[%add3A_272] : memref<320000xi32, #tpu.memory_space<hbm>> -> memref<160xi32, #tpu.memory_space<hbm>>
      tpu.wait_dma2 semaphore(%arg18 : memref<!tpu.dma_semaphore, #tpu.memory_space<semaphore_mem>>) src(%dma_wait3A_274 : memref<160xi32, #tpu.memory_space<hbm>>) dst(%arg7 : memref<160xi32, #tpu.memory_space<vmem>>)
      %dma_start3A_275 = arith.constant 0 : i32
      %dma_start3A_276 = arith.constant 0 : i32
      %dma_start3A_277 = tpu.memref_slice %arg4[%dma_start3A_275, %dma_start3A_276] : memref<10000x128xf32, #tpu.memory_space<hbm>> -> memref<10000x128xf32, #tpu.memory_space<hbm>>
      tpu.enqueue_indirect_dma source(%dma_start3A_277 : memref<10000x128xf32, #tpu.memory_space<hbm>>) target(%arg15 : memref<160x128xf32, #tpu.memory_space<vmem>>) offsets(%arg7 : memref<160xi32, #tpu.memory_space<vmem>>) semaphore(%arg26 : memref<!tpu.dma_semaphore, #tpu.memory_space<semaphore_mem>>)
      %dma_wait3A_278 = arith.constant 0 : i32
      %dma_wait3A_279 = arith.constant 0 : i32
      %dma_wait3A_280 = tpu.memref_slice %arg4[%dma_wait3A_278, %dma_wait3A_279] : memref<10000x128xf32, #tpu.memory_space<hbm>> -> memref<10000x128xf32, #tpu.memory_space<hbm>>
      tpu.wait_indirect_dma semaphore(%arg27 : memref<!tpu.dma_semaphore, #tpu.memory_space<semaphore_mem>>) src(%dma_wait3A_280 : memref<10000x128xf32, #tpu.memory_space<hbm>>) dst(%arg16 : memref<160x128xf32, #tpu.memory_space<vmem>>)
      %sub3A_281 = arith.constant 1 : i32
      %sub3A_282 = arith.subi %add3A_257, %sub3A_281 : i32
      %mul3A_283 = arith.constant 160 : i32
      %mul3A_284 = arith.muli %sub3A_282, %mul3A_283 : i32
      %add3A_285 = arith.addi %mul3A_4, %mul3A_284 : i32
      %dma_wait3A_286 = tpu.memref_slice %arg3[%add3A_285] : memref<320000xi32, #tpu.memory_space<hbm>> -> memref<160xi32, #tpu.memory_space<hbm>>
      %dma_wait3A_287 = tpu.memref_slice %arg3[%add3A_285] : memref<320000xi32, #tpu.memory_space<hbm>> -> memref<160xi32, #tpu.memory_space<hbm>>
      tpu.wait_dma2 semaphore(%arg25 : memref<!tpu.dma_semaphore, #tpu.memory_space<semaphore_mem>>) src(%dma_wait3A_287 : memref<160xi32, #tpu.memory_space<hbm>>) dst(%arg14 : memref<160xi32, #tpu.memory_space<vmem>>)
      %dma_start3A_288 = arith.constant 0 : i32
      %dma_start3A_289 = arith.constant 0 : i32
      %dma_start3A_290 = tpu.memref_slice %arg17[%dma_start3A_288, %dma_start3A_289] : memref<10240x128xf32, #tpu.memory_space<vmem_shared>> -> memref<10240x128xf32, #tpu.memory_space<vmem_shared>>
      tpu.enqueue_indirect_dma source(%arg16 : memref<160x128xf32, #tpu.memory_space<vmem>>) target(%dma_start3A_290 : memref<10240x128xf32, #tpu.memory_space<vmem_shared>>) offsets(%arg14 : memref<160xi32, #tpu.memory_space<vmem>>) semaphore(%arg29 : memref<!tpu.dma_semaphore, #tpu.memory_space<semaphore_mem>>) {add = true}
      %mul3A_291 = arith.constant 4 : i32
      %mul3A_292 = arith.muli %mul3A_291, %add3A_173 : i32
      %add3A_293 = arith.constant 2 : i32
      %add3A_294 = arith.addi %add3A_293, %mul3A_292 : i32
      %add3A_295 = arith.constant 3 : i32
      %add3A_296 = arith.addi %add3A_294, %add3A_295 : i32
      %dma_wait3A_297 = arith.constant 0 : i32
      %dma_wait3A_298 = arith.constant 0 : i32
      %dma_wait3A_299 = tpu.memref_slice %arg17[%dma_wait3A_297, %dma_wait3A_298] : memref<10240x128xf32, #tpu.memory_space<vmem_shared>> -> memref<10240x128xf32, #tpu.memory_space<vmem_shared>>
      tpu.wait_indirect_dma semaphore(%arg29 : memref<!tpu.dma_semaphore, #tpu.memory_space<semaphore_mem>>) src(%arg16 : memref<160x128xf32, #tpu.memory_space<vmem>>) dst(%dma_wait3A_299 : memref<10240x128xf32, #tpu.memory_space<vmem_shared>>)
      %add3A_300 = arith.constant 2 : i32
      %add3A_301 = arith.addi %add3A_296, %add3A_300 : i32
      %mul3A_302 = arith.constant 160 : i32
      %mul3A_303 = arith.muli %add3A_301, %mul3A_302 : i32
      %add3A_304 = arith.addi %mul3A_4, %mul3A_303 : i32
      %dma_start3A_305 = tpu.memref_slice %arg2[%add3A_304] : memref<320000xi32, #tpu.memory_space<hbm>> -> memref<160xi32, #tpu.memory_space<hbm>>
      %dma_start3A_306 = tpu.memref_slice %arg2[%add3A_304] : memref<320000xi32, #tpu.memory_space<hbm>> -> memref<160xi32, #tpu.memory_space<hbm>>
      tpu.enqueue_dma source(%dma_start3A_306 : memref<160xi32, #tpu.memory_space<hbm>>) target(%arg10 : memref<160xi32, #tpu.memory_space<vmem>>) target_semaphore(%arg21 : memref<!tpu.dma_semaphore, #tpu.memory_space<semaphore_mem>>)
      %dma_start3A_307 = tpu.memref_slice %arg3[%add3A_304] : memref<320000xi32, #tpu.memory_space<hbm>> -> memref<160xi32, #tpu.memory_space<hbm>>
      %dma_start3A_308 = tpu.memref_slice %arg3[%add3A_304] : memref<320000xi32, #tpu.memory_space<hbm>> -> memref<160xi32, #tpu.memory_space<hbm>>
      tpu.enqueue_dma source(%dma_start3A_308 : memref<160xi32, #tpu.memory_space<hbm>>) target(%arg14 : memref<160xi32, #tpu.memory_space<vmem>>) target_semaphore(%arg25 : memref<!tpu.dma_semaphore, #tpu.memory_space<semaphore_mem>>)
      %mul3A_309 = arith.constant 160 : i32
      %mul3A_310 = arith.muli %add3A_296, %mul3A_309 : i32
      %add3A_311 = arith.addi %mul3A_4, %mul3A_310 : i32
      %dma_wait3A_312 = tpu.memref_slice %arg2[%add3A_311] : memref<320000xi32, #tpu.memory_space<hbm>> -> memref<160xi32, #tpu.memory_space<hbm>>
      %dma_wait3A_313 = tpu.memref_slice %arg2[%add3A_311] : memref<320000xi32, #tpu.memory_space<hbm>> -> memref<160xi32, #tpu.memory_space<hbm>>
      tpu.wait_dma2 semaphore(%arg19 : memref<!tpu.dma_semaphore, #tpu.memory_space<semaphore_mem>>) src(%dma_wait3A_313 : memref<160xi32, #tpu.memory_space<hbm>>) dst(%arg8 : memref<160xi32, #tpu.memory_space<vmem>>)
      %dma_start3A_314 = arith.constant 0 : i32
      %dma_start3A_315 = arith.constant 0 : i32
      %dma_start3A_316 = tpu.memref_slice %arg4[%dma_start3A_314, %dma_start3A_315] : memref<10000x128xf32, #tpu.memory_space<hbm>> -> memref<10000x128xf32, #tpu.memory_space<hbm>>
      tpu.enqueue_indirect_dma source(%dma_start3A_316 : memref<10000x128xf32, #tpu.memory_space<hbm>>) target(%arg16 : memref<160x128xf32, #tpu.memory_space<vmem>>) offsets(%arg8 : memref<160xi32, #tpu.memory_space<vmem>>) semaphore(%arg27 : memref<!tpu.dma_semaphore, #tpu.memory_space<semaphore_mem>>)
      %dma_wait3A_317 = arith.constant 0 : i32
      %dma_wait3A_318 = arith.constant 0 : i32
      %dma_wait3A_319 = tpu.memref_slice %arg4[%dma_wait3A_317, %dma_wait3A_318] : memref<10000x128xf32, #tpu.memory_space<hbm>> -> memref<10000x128xf32, #tpu.memory_space<hbm>>
      tpu.wait_indirect_dma semaphore(%arg26 : memref<!tpu.dma_semaphore, #tpu.memory_space<semaphore_mem>>) src(%dma_wait3A_319 : memref<10000x128xf32, #tpu.memory_space<hbm>>) dst(%arg15 : memref<160x128xf32, #tpu.memory_space<vmem>>)
      %sub3A_320 = arith.constant 1 : i32
      %sub3A_321 = arith.subi %add3A_296, %sub3A_320 : i32
      %mul3A_322 = arith.constant 160 : i32
      %mul3A_323 = arith.muli %sub3A_321, %mul3A_322 : i32
      %add3A_324 = arith.addi %mul3A_4, %mul3A_323 : i32
      %dma_wait3A_325 = tpu.memref_slice %arg3[%add3A_324] : memref<320000xi32, #tpu.memory_space<hbm>> -> memref<160xi32, #tpu.memory_space<hbm>>
      %dma_wait3A_326 = tpu.memref_slice %arg3[%add3A_324] : memref<320000xi32, #tpu.memory_space<hbm>> -> memref<160xi32, #tpu.memory_space<hbm>>
      tpu.wait_dma2 semaphore(%arg22 : memref<!tpu.dma_semaphore, #tpu.memory_space<semaphore_mem>>) src(%dma_wait3A_326 : memref<160xi32, #tpu.memory_space<hbm>>) dst(%arg11 : memref<160xi32, #tpu.memory_space<vmem>>)
      %dma_start3A_327 = arith.constant 0 : i32
      %dma_start3A_328 = arith.constant 0 : i32
      %dma_start3A_329 = tpu.memref_slice %arg17[%dma_start3A_327, %dma_start3A_328] : memref<10240x128xf32, #tpu.memory_space<vmem_shared>> -> memref<10240x128xf32, #tpu.memory_space<vmem_shared>>
      tpu.enqueue_indirect_dma source(%arg15 : memref<160x128xf32, #tpu.memory_space<vmem>>) target(%dma_start3A_329 : memref<10240x128xf32, #tpu.memory_space<vmem_shared>>) offsets(%arg11 : memref<160xi32, #tpu.memory_space<vmem>>) semaphore(%arg28 : memref<!tpu.dma_semaphore, #tpu.memory_space<semaphore_mem>>) {add = true}
    }
    %dma_wait3A_96 = arith.constant 0 : i32
    %dma_wait3A_97 = arith.constant 0 : i32
    %dma_wait3A_98 = tpu.memref_slice %arg17[%dma_wait3A_96, %dma_wait3A_97] : memref<10240x128xf32, #tpu.memory_space<vmem_shared>> -> memref<10240x128xf32, #tpu.memory_space<vmem_shared>>
    tpu.wait_indirect_dma semaphore(%arg28 : memref<!tpu.dma_semaphore, #tpu.memory_space<semaphore_mem>>) src(%arg15 : memref<160x128xf32, #tpu.memory_space<vmem>>) dst(%dma_wait3A_98 : memref<10240x128xf32, #tpu.memory_space<vmem_shared>>)
    %sub3A_99 = arith.constant 2 : i32
    %sub3A_100 = arith.subi %select_n3A, %sub3A_99 : i32
    %mul3A_101 = arith.constant 160 : i32
    %mul3A_102 = arith.muli %sub3A_100, %mul3A_101 : i32
    %add3A_103 = arith.addi %mul3A_4, %mul3A_102 : i32
    %dma_wait3A_104 = tpu.memref_slice %arg2[%add3A_103] : memref<320000xi32, #tpu.memory_space<hbm>> -> memref<160xi32, #tpu.memory_space<hbm>>
    %dma_wait3A_105 = tpu.memref_slice %arg2[%add3A_103] : memref<320000xi32, #tpu.memory_space<hbm>> -> memref<160xi32, #tpu.memory_space<hbm>>
    tpu.wait_dma2 semaphore(%arg20 : memref<!tpu.dma_semaphore, #tpu.memory_space<semaphore_mem>>) src(%dma_wait3A_105 : memref<160xi32, #tpu.memory_space<hbm>>) dst(%arg9 : memref<160xi32, #tpu.memory_space<vmem>>)
    %dma_start3A_106 = arith.constant 0 : i32
    %dma_start3A_107 = arith.constant 0 : i32
    %dma_start3A_108 = tpu.memref_slice %arg4[%dma_start3A_106, %dma_start3A_107] : memref<10000x128xf32, #tpu.memory_space<hbm>> -> memref<10000x128xf32, #tpu.memory_space<hbm>>
    tpu.enqueue_indirect_dma source(%dma_start3A_108 : memref<10000x128xf32, #tpu.memory_space<hbm>>) target(%arg15 : memref<160x128xf32, #tpu.memory_space<vmem>>) offsets(%arg9 : memref<160xi32, #tpu.memory_space<vmem>>) semaphore(%arg26 : memref<!tpu.dma_semaphore, #tpu.memory_space<semaphore_mem>>)
    %dma_wait3A_109 = arith.constant 0 : i32
    %dma_wait3A_110 = arith.constant 0 : i32
    %dma_wait3A_111 = tpu.memref_slice %arg4[%dma_wait3A_109, %dma_wait3A_110] : memref<10000x128xf32, #tpu.memory_space<hbm>> -> memref<10000x128xf32, #tpu.memory_space<hbm>>
    tpu.wait_indirect_dma semaphore(%arg27 : memref<!tpu.dma_semaphore, #tpu.memory_space<semaphore_mem>>) src(%dma_wait3A_111 : memref<10000x128xf32, #tpu.memory_space<hbm>>) dst(%arg16 : memref<160x128xf32, #tpu.memory_space<vmem>>)
    %sub3A_112 = arith.constant 3 : i32
    %sub3A_113 = arith.subi %select_n3A, %sub3A_112 : i32
    %mul3A_114 = arith.constant 160 : i32
    %mul3A_115 = arith.muli %sub3A_113, %mul3A_114 : i32
    %add3A_116 = arith.addi %mul3A_4, %mul3A_115 : i32
    %dma_wait3A_117 = tpu.memref_slice %arg3[%add3A_116] : memref<320000xi32, #tpu.memory_space<hbm>> -> memref<160xi32, #tpu.memory_space<hbm>>
    %dma_wait3A_118 = tpu.memref_slice %arg3[%add3A_116] : memref<320000xi32, #tpu.memory_space<hbm>> -> memref<160xi32, #tpu.memory_space<hbm>>
    tpu.wait_dma2 semaphore(%arg23 : memref<!tpu.dma_semaphore, #tpu.memory_space<semaphore_mem>>) src(%dma_wait3A_118 : memref<160xi32, #tpu.memory_space<hbm>>) dst(%arg12 : memref<160xi32, #tpu.memory_space<vmem>>)
    %dma_start3A_119 = arith.constant 0 : i32
    %dma_start3A_120 = arith.constant 0 : i32
    %dma_start3A_121 = tpu.memref_slice %arg17[%dma_start3A_119, %dma_start3A_120] : memref<10240x128xf32, #tpu.memory_space<vmem_shared>> -> memref<10240x128xf32, #tpu.memory_space<vmem_shared>>
    tpu.enqueue_indirect_dma source(%arg16 : memref<160x128xf32, #tpu.memory_space<vmem>>) target(%dma_start3A_121 : memref<10240x128xf32, #tpu.memory_space<vmem_shared>>) offsets(%arg12 : memref<160xi32, #tpu.memory_space<vmem>>) semaphore(%arg29 : memref<!tpu.dma_semaphore, #tpu.memory_space<semaphore_mem>>) {add = true}
    %dma_wait3A_122 = arith.constant 0 : i32
    %dma_wait3A_123 = arith.constant 0 : i32
    %dma_wait3A_124 = tpu.memref_slice %arg17[%dma_wait3A_122, %dma_wait3A_123] : memref<10240x128xf32, #tpu.memory_space<vmem_shared>> -> memref<10240x128xf32, #tpu.memory_space<vmem_shared>>
    tpu.wait_indirect_dma semaphore(%arg29 : memref<!tpu.dma_semaphore, #tpu.memory_space<semaphore_mem>>) src(%arg16 : memref<160x128xf32, #tpu.memory_space<vmem>>) dst(%dma_wait3A_124 : memref<10240x128xf32, #tpu.memory_space<vmem_shared>>)
    %sub3A_125 = arith.constant 1 : i32
    %sub3A_126 = arith.subi %select_n3A, %sub3A_125 : i32
    %mul3A_127 = arith.constant 160 : i32
    %mul3A_128 = arith.muli %sub3A_126, %mul3A_127 : i32
    %add3A_129 = arith.addi %mul3A_4, %mul3A_128 : i32
    %dma_wait3A_130 = tpu.memref_slice %arg2[%add3A_129] : memref<320000xi32, #tpu.memory_space<hbm>> -> memref<160xi32, #tpu.memory_space<hbm>>
    %dma_wait3A_131 = tpu.memref_slice %arg2[%add3A_129] : memref<320000xi32, #tpu.memory_space<hbm>> -> memref<160xi32, #tpu.memory_space<hbm>>
    tpu.wait_dma2 semaphore(%arg21 : memref<!tpu.dma_semaphore, #tpu.memory_space<semaphore_mem>>) src(%dma_wait3A_131 : memref<160xi32, #tpu.memory_space<hbm>>) dst(%arg10 : memref<160xi32, #tpu.memory_space<vmem>>)
    %dma_start3A_132 = arith.constant 0 : i32
    %dma_start3A_133 = arith.constant 0 : i32
    %dma_start3A_134 = tpu.memref_slice %arg4[%dma_start3A_132, %dma_start3A_133] : memref<10000x128xf32, #tpu.memory_space<hbm>> -> memref<10000x128xf32, #tpu.memory_space<hbm>>
    tpu.enqueue_indirect_dma source(%dma_start3A_134 : memref<10000x128xf32, #tpu.memory_space<hbm>>) target(%arg16 : memref<160x128xf32, #tpu.memory_space<vmem>>) offsets(%arg10 : memref<160xi32, #tpu.memory_space<vmem>>) semaphore(%arg27 : memref<!tpu.dma_semaphore, #tpu.memory_space<semaphore_mem>>)
    %dma_wait3A_135 = arith.constant 0 : i32
    %dma_wait3A_136 = arith.constant 0 : i32
    %dma_wait3A_137 = tpu.memref_slice %arg4[%dma_wait3A_135, %dma_wait3A_136] : memref<10000x128xf32, #tpu.memory_space<hbm>> -> memref<10000x128xf32, #tpu.memory_space<hbm>>
    tpu.wait_indirect_dma semaphore(%arg26 : memref<!tpu.dma_semaphore, #tpu.memory_space<semaphore_mem>>) src(%dma_wait3A_137 : memref<10000x128xf32, #tpu.memory_space<hbm>>) dst(%arg15 : memref<160x128xf32, #tpu.memory_space<vmem>>)
    %sub3A_138 = arith.constant 2 : i32
    %sub3A_139 = arith.subi %select_n3A, %sub3A_138 : i32
    %mul3A_140 = arith.constant 160 : i32
    %mul3A_141 = arith.muli %sub3A_139, %mul3A_140 : i32
    %add3A_142 = arith.addi %mul3A_4, %mul3A_141 : i32
    %dma_wait3A_143 = tpu.memref_slice %arg3[%add3A_142] : memref<320000xi32, #tpu.memory_space<hbm>> -> memref<160xi32, #tpu.memory_space<hbm>>
    %dma_wait3A_144 = tpu.memref_slice %arg3[%add3A_142] : memref<320000xi32, #tpu.memory_space<hbm>> -> memref<160xi32, #tpu.memory_space<hbm>>
    tpu.wait_dma2 semaphore(%arg24 : memref<!tpu.dma_semaphore, #tpu.memory_space<semaphore_mem>>) src(%dma_wait3A_144 : memref<160xi32, #tpu.memory_space<hbm>>) dst(%arg13 : memref<160xi32, #tpu.memory_space<vmem>>)
    %dma_start3A_145 = arith.constant 0 : i32
    %dma_start3A_146 = arith.constant 0 : i32
    %dma_start3A_147 = tpu.memref_slice %arg17[%dma_start3A_145, %dma_start3A_146] : memref<10240x128xf32, #tpu.memory_space<vmem_shared>> -> memref<10240x128xf32, #tpu.memory_space<vmem_shared>>
    tpu.enqueue_indirect_dma source(%arg15 : memref<160x128xf32, #tpu.memory_space<vmem>>) target(%dma_start3A_147 : memref<10240x128xf32, #tpu.memory_space<vmem_shared>>) offsets(%arg13 : memref<160xi32, #tpu.memory_space<vmem>>) semaphore(%arg28 : memref<!tpu.dma_semaphore, #tpu.memory_space<semaphore_mem>>) {add = true}
    %dma_wait3A_148 = arith.constant 0 : i32
    %dma_wait3A_149 = arith.constant 0 : i32
    %dma_wait3A_150 = tpu.memref_slice %arg4[%dma_wait3A_148, %dma_wait3A_149] : memref<10000x128xf32, #tpu.memory_space<hbm>> -> memref<10000x128xf32, #tpu.memory_space<hbm>>
    tpu.wait_indirect_dma semaphore(%arg27 : memref<!tpu.dma_semaphore, #tpu.memory_space<semaphore_mem>>) src(%dma_wait3A_150 : memref<10000x128xf32, #tpu.memory_space<hbm>>) dst(%arg16 : memref<160x128xf32, #tpu.memory_space<vmem>>)
    %sub3A_151 = arith.constant 1 : i32
    %sub3A_152 = arith.subi %select_n3A, %sub3A_151 : i32
    %mul3A_153 = arith.constant 160 : i32
    %mul3A_154 = arith.muli %sub3A_152, %mul3A_153 : i32
    %add3A_155 = arith.addi %mul3A_4, %mul3A_154 : i32
    %dma_wait3A_156 = tpu.memref_slice %arg3[%add3A_155] : memref<320000xi32, #tpu.memory_space<hbm>> -> memref<160xi32, #tpu.memory_space<hbm>>
    %dma_wait3A_157 = tpu.memref_slice %arg3[%add3A_155] : memref<320000xi32, #tpu.memory_space<hbm>> -> memref<160xi32, #tpu.memory_space<hbm>>
    tpu.wait_dma2 semaphore(%arg25 : memref<!tpu.dma_semaphore, #tpu.memory_space<semaphore_mem>>) src(%dma_wait3A_157 : memref<160xi32, #tpu.memory_space<hbm>>) dst(%arg14 : memref<160xi32, #tpu.memory_space<vmem>>)
    %dma_start3A_158 = arith.constant 0 : i32
    %dma_start3A_159 = arith.constant 0 : i32
    %dma_start3A_160 = tpu.memref_slice %arg17[%dma_start3A_158, %dma_start3A_159] : memref<10240x128xf32, #tpu.memory_space<vmem_shared>> -> memref<10240x128xf32, #tpu.memory_space<vmem_shared>>
    tpu.enqueue_indirect_dma source(%arg16 : memref<160x128xf32, #tpu.memory_space<vmem>>) target(%dma_start3A_160 : memref<10240x128xf32, #tpu.memory_space<vmem_shared>>) offsets(%arg14 : memref<160xi32, #tpu.memory_space<vmem>>) semaphore(%arg29 : memref<!tpu.dma_semaphore, #tpu.memory_space<semaphore_mem>>) {add = true}
    %dma_wait3A_161 = arith.constant 0 : i32
    %dma_wait3A_162 = arith.constant 0 : i32
    %dma_wait3A_163 = tpu.memref_slice %arg17[%dma_wait3A_161, %dma_wait3A_162] : memref<10240x128xf32, #tpu.memory_space<vmem_shared>> -> memref<10240x128xf32, #tpu.memory_space<vmem_shared>>
    tpu.wait_indirect_dma semaphore(%arg28 : memref<!tpu.dma_semaphore, #tpu.memory_space<semaphore_mem>>) src(%arg15 : memref<160x128xf32, #tpu.memory_space<vmem>>) dst(%dma_wait3A_163 : memref<10240x128xf32, #tpu.memory_space<vmem_shared>>)
    %dma_wait3A_164 = arith.constant 0 : i32
    %dma_wait3A_165 = arith.constant 0 : i32
    %dma_wait3A_166 = tpu.memref_slice %arg17[%dma_wait3A_164, %dma_wait3A_165] : memref<10240x128xf32, #tpu.memory_space<vmem_shared>> -> memref<10240x128xf32, #tpu.memory_space<vmem_shared>>
    tpu.wait_indirect_dma semaphore(%arg29 : memref<!tpu.dma_semaphore, #tpu.memory_space<semaphore_mem>>) src(%arg16 : memref<160x128xf32, #tpu.memory_space<vmem>>) dst(%dma_wait3A_166 : memref<10240x128xf32, #tpu.memory_space<vmem_shared>>)
    %barrier3A_167 = arith.constant 0 : index
    tpu.barrier barrier_id(%barrier3A_167)
    %mul3A_168 = arith.constant 10240 : i32
    %mul3A_169 = arith.muli %arg0, %mul3A_168 : i32
    %add3A_170 = arith.addi %mul3A_169, %mul3A_2 : i32
    "tpu.region"() ({
      %run_scoped3A = tpu.sem_alloc : memref<!tpu.dma_semaphore, #tpu.memory_space<semaphore_mem>>
      %dma_start3A_171 = arith.constant 0 : i32
      %dma_start3A_172 = tpu.memref_slice %arg6[%add3A_170, %dma_start3A_171] : memref<20480x128xf32, #tpu.memory_space<hbm>> -> memref<640x128xf32, #tpu.memory_space<hbm>>
      %dma_start3A_173 = arith.constant 0 : i32
      %dma_start3A_174 = tpu.memref_slice %arg17[%mul3A_2, %dma_start3A_173] : memref<10240x128xf32, #tpu.memory_space<vmem_shared>> -> memref<640x128xf32, #tpu.memory_space<vmem_shared>>
      tpu.enqueue_dma source(%dma_start3A_174 : memref<640x128xf32, #tpu.memory_space<vmem_shared>>) target(%dma_start3A_172 : memref<640x128xf32, #tpu.memory_space<hbm>>) target_semaphore(%run_scoped3A : memref<!tpu.dma_semaphore, #tpu.memory_space<semaphore_mem>>)
      %dma_wait3A_175 = arith.constant 0 : i32
      %dma_wait3A_176 = tpu.memref_slice %arg6[%add3A_170, %dma_wait3A_175] : memref<20480x128xf32, #tpu.memory_space<hbm>> -> memref<640x128xf32, #tpu.memory_space<hbm>>
      %dma_wait3A_177 = arith.constant 0 : i32
      %dma_wait3A_178 = tpu.memref_slice %arg17[%mul3A_2, %dma_wait3A_177] : memref<10240x128xf32, #tpu.memory_space<vmem_shared>> -> memref<640x128xf32, #tpu.memory_space<vmem_shared>>
      tpu.wait_dma2 semaphore(%run_scoped3A : memref<!tpu.dma_semaphore, #tpu.memory_space<semaphore_mem>>) src(%dma_wait3A_178 : memref<640x128xf32, #tpu.memory_space<vmem_shared>>) dst(%dma_wait3A_176 : memref<640x128xf32, #tpu.memory_space<hbm>>)
      tpu.yield
    }) : () -> ()
    return
  }
}

module attributes {stable_mosaic.version = 14 : i64} {
  func.func @_linear_body(%arg0: i32, %arg1: memref<2048x128xf32, #tpu.memory_space<vmem>>, %arg2: memref<128x128xf32, #tpu.memory_space<vmem>>, %arg3: memref<1x128xf32, #tpu.memory_space<vmem>>, %arg4: memref<2048x128xf32, #tpu.memory_space<vmem>>) attributes {dimension_semantics = [#tpu.dimension_semantics<arbitrary>], iteration_bounds = array<i64: 5>, scalar_prefetch = 0 : i64, scratch_operands = 0 : i64, tpu.core_type = #tpu.core_type<tc>, window_params = [{transform_indices = @transform_0, window_bounds = array<i64: 2048, 128>}, {pipeline_mode = #tpu.pipeline_mode<synchronous>, transform_indices = @transform_1, window_bounds = array<i64: 128, 128>}, {pipeline_mode = #tpu.pipeline_mode<synchronous>, transform_indices = @transform_2, window_bounds = array<i64: 1, 128>}, {transform_indices = @transform_3, window_bounds = array<i64: 2048, 128>}]} {
    %get3A = arith.constant 0 : index
    %get3A_0 = arith.constant 0 : index
    %get3A_1 = vector.load %arg1[%get3A, %get3A_0] : memref<2048x128xf32, #tpu.memory_space<vmem>>, vector<2048x128xf32>
    %get3A_2 = arith.constant 0 : index
    %get3A_3 = arith.constant 0 : index
    %get3A_4 = vector.load %arg2[%get3A_2, %get3A_3] : memref<128x128xf32, #tpu.memory_space<vmem>>, vector<128x128xf32>
    %dot_general3A = arith.constant dense<0.000000e+00> : vector<2048x128xf32>
    %dot_general3A_5 = tpu.matmul %get3A_1, %get3A_4, %dot_general3A {dimension_numbers = #tpu.dot_dimension_numbers<[1], [1], [0], [0], [0, 0, 1, 0], [], []>, transpose_lhs_hint = false} : vector<2048x128xf32>, vector<128x128xf32>, vector<2048x128xf32> -> vector<2048x128xf32>
    %get3A_6 = arith.constant 0 : index
    %get3A_7 = arith.constant 0 : index
    %get3A_8 = vector.load %arg3[%get3A_6, %get3A_7] : memref<1x128xf32, #tpu.memory_space<vmem>>, vector<1x128xf32>
    %add3A = vector.broadcast %get3A_8 : vector<1x128xf32> to vector<2048x128xf32>
    %add3A_9 = arith.addf %dot_general3A_5, %add3A : vector<2048x128xf32>
    %swap3A = arith.constant 0 : index
    %swap3A_10 = arith.constant 0 : index
    %swap3A_11 = vector.load %arg4[%swap3A, %swap3A_10] : memref<2048x128xf32, #tpu.memory_space<vmem>>, vector<2048x128xf32>
    tpu.vector_store %arg4[%swap3A, %swap3A_10], %add3A_9 {strides = array<i32>} : memref<2048x128xf32, #tpu.memory_space<vmem>>, vector<2048x128xf32>,
    return
  }
  func.func @transform_0(%arg0: i32) -> (i32, i32) {
    %c0_i32 = arith.constant 0 : i32
    %c0_i32_0 = arith.constant 0 : i32
    return %arg0, %c0_i32 : i32, i32
  }
  func.func @transform_1(%arg0: i32) -> (i32, i32) {
    %c0_i32 = arith.constant 0 : i32
    %c0_i32_0 = arith.constant 0 : i32
    %c0_i32_1 = arith.constant 0 : i32
    return %c0_i32, %c0_i32_0 : i32, i32
  }
  func.func @transform_2(%arg0: i32) -> (i32, i32) {
    %c0_i32 = arith.constant 0 : i32
    %c0_i32_0 = arith.constant 0 : i32
    %c0_i32_1 = arith.constant 0 : i32
    return %c0_i32, %c0_i32_0 : i32, i32
  }
  func.func @transform_3(%arg0: i32) -> (i32, i32) {
    %c0_i32 = arith.constant 0 : i32
    %c0_i32_0 = arith.constant 0 : i32
    return %arg0, %c0_i32 : i32, i32
  }
}

module attributes {stable_mosaic.version = 14 : i64} {
  func.func @_scale_body(%arg0: i32, %arg1: memref<2048x128xf32, #tpu.memory_space<vmem>>, %arg2: memref<2048x1xf32, #tpu.memory_space<vmem>>, %arg3: memref<2048x1xf32, #tpu.memory_space<vmem>>, %arg4: memref<2048x128xf32, #tpu.memory_space<vmem>>) attributes {dimension_semantics = [#tpu.dimension_semantics<arbitrary>], iteration_bounds = array<i64: 5>, scalar_prefetch = 0 : i64, scratch_operands = 0 : i64, tpu.core_type = #tpu.core_type<tc>, window_params = [{transform_indices = @transform_0, window_bounds = array<i64: 2048, 128>}, {transform_indices = @transform_1, window_bounds = array<i64: 2048, 1>}, {transform_indices = @transform_2, window_bounds = array<i64: 2048, 1>}, {transform_indices = @transform_3, window_bounds = array<i64: 2048, 128>}]} {
    %get3A = arith.constant 0 : index
    %get3A_0 = arith.constant 0 : index
    %get3A_1 = vector.load %arg2[%get3A, %get3A_0] : memref<2048x1xf32, #tpu.memory_space<vmem>>, vector<2048x1xf32>
    %get3A_2 = arith.constant 0 : index
    %get3A_3 = arith.constant 0 : index
    %get3A_4 = vector.load %arg3[%get3A_2, %get3A_3] : memref<2048x1xf32, #tpu.memory_space<vmem>>, vector<2048x1xf32>
    %add3A = arith.addf %get3A_1, %get3A_4 : vector<2048x1xf32>
    %add3A_5 = arith.constant 1.000000e+00 : f32
    %add3A_6 = vector.broadcast %add3A_5 : f32 to vector<2048x1xf32>
    %add3A_7 = arith.addf %add3A, %add3A_6 : vector<2048x1xf32>
    %get3A_8 = arith.constant 0 : index
    %get3A_9 = arith.constant 0 : index
    %get3A_10 = vector.load %arg1[%get3A_8, %get3A_9] : memref<2048x128xf32, #tpu.memory_space<vmem>>, vector<2048x128xf32>
    %rsqrt3A = math.rsqrt %add3A_7 : vector<2048x1xf32>
    %mul3A = vector.broadcast %rsqrt3A : vector<2048x1xf32> to vector<2048x128xf32>
    %mul3A_11 = arith.mulf %get3A_10, %mul3A : vector<2048x128xf32>
    %swap3A = arith.constant 0 : index
    %swap3A_12 = arith.constant 0 : index
    %swap3A_13 = vector.load %arg4[%swap3A, %swap3A_12] : memref<2048x128xf32, #tpu.memory_space<vmem>>, vector<2048x128xf32>
    tpu.vector_store %arg4[%swap3A, %swap3A_12], %mul3A_11 {strides = array<i32>} : memref<2048x128xf32, #tpu.memory_space<vmem>>, vector<2048x128xf32>,
    return
  }
  func.func @transform_0(%arg0: i32) -> (i32, i32) {
    %c0_i32 = arith.constant 0 : i32
    %c0_i32_0 = arith.constant 0 : i32
    return %arg0, %c0_i32 : i32, i32
  }
  func.func @transform_1(%arg0: i32) -> (i32, i32) {
    %c0_i32 = arith.constant 0 : i32
    %c0_i32_0 = arith.constant 0 : i32
    return %arg0, %c0_i32 : i32, i32
  }
  func.func @transform_2(%arg0: i32) -> (i32, i32) {
    %add3A = arith.constant 5 : i32
    %add3A_0 = arith.addi %arg0, %add3A : i32
    %c0_i32 = arith.constant 0 : i32
    %c0_i32_1 = arith.constant 0 : i32
    return %add3A_0, %c0_i32 : i32, i32
  }
  func.func @transform_3(%arg0: i32) -> (i32, i32) {
    %c0_i32 = arith.constant 0 : i32
    %c0_i32_0 = arith.constant 0 : i32
    return %arg0, %c0_i32 : i32, i32
  }
}

module attributes {stable_mosaic.version = 14 : i64} {
  func.func @_final_body(%arg0: i32, %arg1: memref<2048x128xf32, #tpu.memory_space<vmem>>, %arg2: memref<2048x128xf32, #tpu.memory_space<vmem>>, %arg3: memref<2048x128xf32, #tpu.memory_space<vmem>>, %arg4: memref<2048x1xf32, #tpu.memory_space<vmem>>, %arg5: memref<2048x1xf32, #tpu.memory_space<vmem>>, %arg6: memref<2048x128xf32, #tpu.memory_space<vmem>>, %arg7: memref<1x128xf32, #tpu.memory_space<vmem>>, %arg8: memref<1x128xf32, #tpu.memory_space<vmem>>, %arg9: memref<2048x128xf32, #tpu.memory_space<vmem>>) attributes {dimension_semantics = [#tpu.dimension_semantics<arbitrary>], iteration_bounds = array<i64: 5>, scalar_prefetch = 0 : i64, scratch_operands = 0 : i64, tpu.core_type = #tpu.core_type<tc>, window_params = [{transform_indices = @transform_0, window_bounds = array<i64: 2048, 128>}, {transform_indices = @transform_1, window_bounds = array<i64: 2048, 128>}, {transform_indices = @transform_2, window_bounds = array<i64: 2048, 128>}, {transform_indices = @transform_3, window_bounds = array<i64: 2048, 1>}, {transform_indices = @transform_4, window_bounds = array<i64: 2048, 1>}, {transform_indices = @transform_5, window_bounds = array<i64: 2048, 128>}, {pipeline_mode = #tpu.pipeline_mode<synchronous>, transform_indices = @transform_6, window_bounds = array<i64: 1, 128>}, {pipeline_mode = #tpu.pipeline_mode<synchronous>, transform_indices = @transform_7, window_bounds = array<i64: 1, 128>}, {transform_indices = @transform_8, window_bounds = array<i64: 2048, 128>}]} {
    %get3A = arith.constant 0 : index
    %get3A_0 = arith.constant 0 : index
    %get3A_1 = vector.load %arg4[%get3A, %get3A_0] : memref<2048x1xf32, #tpu.memory_space<vmem>>, vector<2048x1xf32>
    %get3A_2 = arith.constant 0 : index
    %get3A_3 = arith.constant 0 : index
    %get3A_4 = vector.load %arg5[%get3A_2, %get3A_3] : memref<2048x1xf32, #tpu.memory_space<vmem>>, vector<2048x1xf32>
    %add3A = arith.addf %get3A_1, %get3A_4 : vector<2048x1xf32>
    %add3A_5 = arith.constant 1.000000e+00 : f32
    %add3A_6 = vector.broadcast %add3A_5 : f32 to vector<2048x1xf32>
    %add3A_7 = arith.addf %add3A, %add3A_6 : vector<2048x1xf32>
    %rsqrt3A = math.rsqrt %add3A_7 : vector<2048x1xf32>
    %get3A_8 = arith.constant 0 : index
    %get3A_9 = arith.constant 0 : index
    %get3A_10 = vector.load %arg1[%get3A_8, %get3A_9] : memref<2048x128xf32, #tpu.memory_space<vmem>>, vector<2048x128xf32>
    %get3A_11 = arith.constant 0 : index
    %get3A_12 = arith.constant 0 : index
    %get3A_13 = vector.load %arg2[%get3A_11, %get3A_12] : memref<2048x128xf32, #tpu.memory_space<vmem>>, vector<2048x128xf32>
    %add3A_14 = arith.addf %get3A_10, %get3A_13 : vector<2048x128xf32>
    %get3A_15 = arith.constant 0 : index
    %get3A_16 = arith.constant 0 : index
    %get3A_17 = vector.load %arg3[%get3A_15, %get3A_16] : memref<2048x128xf32, #tpu.memory_space<vmem>>, vector<2048x128xf32>
    %add3A_18 = arith.addf %add3A_14, %get3A_17 : vector<2048x128xf32>
    %mul3A = vector.broadcast %rsqrt3A : vector<2048x1xf32> to vector<2048x128xf32>
    %mul3A_19 = arith.mulf %mul3A, %add3A_18 : vector<2048x128xf32>
    %max3A = arith.constant 0.000000e+00 : f32
    %max3A_20 = vector.broadcast %max3A : f32 to vector<2048x128xf32>
    %max3A_21 = arith.maximumf %mul3A_19, %max3A_20 : vector<2048x128xf32>
    %reduce_sum3A = arith.constant dense<0.000000e+00> : vector<2048xf32>
    %reduce_sum3A_22 = vector.multi_reduction <add>, %max3A_21, %reduce_sum3A [1] : vector<2048x128xf32> to vector<2048xf32>
    %broadcast_in_dim3A = vector.shape_cast %reduce_sum3A_22 : vector<2048xf32> to vector<2048x1xf32>
    %div3A = arith.constant 1.280000e+02 : f32
    %div3A_23 = vector.broadcast %div3A : f32 to vector<2048x1xf32>
    %div3A_24 = arith.divf %broadcast_in_dim3A, %div3A_23 : vector<2048x1xf32>
    %sub3A = vector.broadcast %div3A_24 : vector<2048x1xf32> to vector<2048x128xf32>
    %sub3A_25 = arith.subf %max3A_21, %sub3A : vector<2048x128xf32>
    %integer_pow3A = arith.mulf %sub3A_25, %sub3A_25 : vector<2048x128xf32>
    %reduce_sum3A_26 = arith.constant dense<0.000000e+00> : vector<2048xf32>
    %reduce_sum3A_27 = vector.multi_reduction <add>, %integer_pow3A, %reduce_sum3A_26 [1] : vector<2048x128xf32> to vector<2048xf32>
    %broadcast_in_dim3A_28 = vector.shape_cast %reduce_sum3A_27 : vector<2048xf32> to vector<2048x1xf32>
    %div3A_29 = arith.constant 1.280000e+02 : f32
    %div3A_30 = vector.broadcast %div3A_29 : f32 to vector<2048x1xf32>
    %div3A_31 = arith.divf %broadcast_in_dim3A_28, %div3A_30 : vector<2048x1xf32>
    %sub3A_32 = vector.broadcast %div3A_24 : vector<2048x1xf32> to vector<2048x128xf32>
    %sub3A_33 = arith.subf %max3A_21, %sub3A_32 : vector<2048x128xf32>
    %add3A_34 = arith.constant 9.99999974E-6 : f32
    %add3A_35 = vector.broadcast %add3A_34 : f32 to vector<2048x1xf32>
    %add3A_36 = arith.addf %div3A_31, %add3A_35 : vector<2048x1xf32>
    %rsqrt3A_37 = math.rsqrt %add3A_36 : vector<2048x1xf32>
    %mul3A_38 = vector.broadcast %rsqrt3A_37 : vector<2048x1xf32> to vector<2048x128xf32>
    %mul3A_39 = arith.mulf %sub3A_33, %mul3A_38 : vector<2048x128xf32>
    %get3A_40 = arith.constant 0 : index
    %get3A_41 = arith.constant 0 : index
    %get3A_42 = vector.load %arg7[%get3A_40, %get3A_41] : memref<1x128xf32, #tpu.memory_space<vmem>>, vector<1x128xf32>
    %mul3A_43 = vector.broadcast %get3A_42 : vector<1x128xf32> to vector<2048x128xf32>
    %mul3A_44 = arith.mulf %mul3A_39, %mul3A_43 : vector<2048x128xf32>
    %get3A_45 = arith.constant 0 : index
    %get3A_46 = arith.constant 0 : index
    %get3A_47 = vector.load %arg8[%get3A_45, %get3A_46] : memref<1x128xf32, #tpu.memory_space<vmem>>, vector<1x128xf32>
    %add3A_48 = vector.broadcast %get3A_47 : vector<1x128xf32> to vector<2048x128xf32>
    %add3A_49 = arith.addf %mul3A_44, %add3A_48 : vector<2048x128xf32>
    %get3A_50 = arith.constant 0 : index
    %get3A_51 = arith.constant 0 : index
    %get3A_52 = vector.load %arg6[%get3A_50, %get3A_51] : memref<2048x128xf32, #tpu.memory_space<vmem>>, vector<2048x128xf32>
    %add3A_53 = arith.addf %add3A_49, %get3A_52 : vector<2048x128xf32>
    %swap3A = arith.constant 0 : index
    %swap3A_54 = arith.constant 0 : index
    %swap3A_55 = vector.load %arg9[%swap3A, %swap3A_54] : memref<2048x128xf32, #tpu.memory_space<vmem>>, vector<2048x128xf32>
    tpu.vector_store %arg9[%swap3A, %swap3A_54], %add3A_53 {strides = array<i32>} : memref<2048x128xf32, #tpu.memory_space<vmem>>, vector<2048x128xf32>,
    return
  }
  func.func @transform_0(%arg0: i32) -> (i32, i32) {
    %c0_i32 = arith.constant 0 : i32
    %c0_i32_0 = arith.constant 0 : i32
    return %arg0, %c0_i32 : i32, i32
  }
  func.func @transform_1(%arg0: i32) -> (i32, i32) {
    %add3A = arith.constant 5 : i32
    %add3A_0 = arith.addi %arg0, %add3A : i32
    %c0_i32 = arith.constant 0 : i32
    %c0_i32_1 = arith.constant 0 : i32
    return %add3A_0, %c0_i32 : i32, i32
  }
  func.func @transform_2(%arg0: i32) -> (i32, i32) {
    %c0_i32 = arith.constant 0 : i32
    %c0_i32_0 = arith.constant 0 : i32
    return %arg0, %c0_i32 : i32, i32
  }
  func.func @transform_3(%arg0: i32) -> (i32, i32) {
    %c0_i32 = arith.constant 0 : i32
    %c0_i32_0 = arith.constant 0 : i32
    return %arg0, %c0_i32 : i32, i32
  }
  func.func @transform_4(%arg0: i32) -> (i32, i32) {
    %add3A = arith.constant 5 : i32
    %add3A_0 = arith.addi %arg0, %add3A : i32
    %c0_i32 = arith.constant 0 : i32
    %c0_i32_1 = arith.constant 0 : i32
    return %add3A_0, %c0_i32 : i32, i32
  }
  func.func @transform_5(%arg0: i32) -> (i32, i32) {
    %c0_i32 = arith.constant 0 : i32
    %c0_i32_0 = arith.constant 0 : i32
    return %arg0, %c0_i32 : i32, i32
  }
  func.func @transform_6(%arg0: i32) -> (i32, i32) {
    %c0_i32 = arith.constant 0 : i32
    %c0_i32_0 = arith.constant 0 : i32
    %c0_i32_1 = arith.constant 0 : i32
    return %c0_i32, %c0_i32_0 : i32, i32
  }
  func.func @transform_7(%arg0: i32) -> (i32, i32) {
    %c0_i32 = arith.constant 0 : i32
    %c0_i32_0 = arith.constant 0 : i32
    %c0_i32_1 = arith.constant 0 : i32
    return %c0_i32, %c0_i32_0 : i32, i32
  }
  func.func @transform_8(%arg0: i32) -> (i32, i32) {
    %c0_i32 = arith.constant 0 : i32
    %c0_i32_0 = arith.constant 0 : i32
    return %arg0, %c0_i32 : i32, i32
  }
}

</mosaic_0001>

<sc_bundles>
// kernel: kernel.10.cloned.1.call-start
scs
__scs_entry_jumppad:
0x0: {  	(pc) =	sbr.rel $0x88, $3  }
0x1: {  	(tag) =	ssettag $0x0;
	lr =	simm.s32 $0x1  }
0x2: {  	[smem:$0x3F9B] =	sst lr;
	_ =	strace $0xD0000000  }
0x3: {  	_ = 	snop  }
0x4: {  	_ = 	snop  }
0x5: {  	_ = 	snop  }
0x6: {  	_ = 	snop  }
0x7: {  	_ = 	snop  }
__scs_overlays_trampoline_lowered:
0x8: {  	[smem:$0x3FAA] =	sst s0  }
0x9: {  	[smem:$0x3FAB] =	sst s1  }
0xa: {  	[smem:$0x3FAC] =	sst s2  }
0xb: {  	[smem:$0x3FAD] =	sst s3  }
0xc: {  	[smem:$0x3FAE] =	sst s4  }
0xd: {  	[smem:$0x3FAF] =	sst s5  }
0xe: {  	[smem:$0x3FB0] =	sst s6  }
0xf: {  	[smem:$0x3FB1] =	sst s7  }
0x10: {  	[smem:$0x3FB2] =	sst s8  }
0x11: {  	[smem:$0x3FB3] =	sst s9;
	s0 =	simm.s32 @!p0 $0x0  }
0x12: {  	s1 =	sld [smem:$0x3F99];
	s0 =	simm.s32 @p0 $0x1  }
0x13: {  	[smem:$0x3FB4] =	sst s0;
	s0 =	simm.s32 @!p1 $0x0  }
0x14: {  	s2 =	sld [smem:$0x3F98];
	s0 =	simm.s32 @p1 $0x1  }
0x15: {  	[smem:$0x3FB5] =	sst s0;
	s0 =	simm.s32 @!p2 $0x0  }
0x16: {  	s3 =	sld [smem:$0x3FDB];
	s0 =	simm.s32 @p2 $0x1  }
0x17: {  	s4 =	simm.s32 $0x1BF5;
	[smem:$0x3FB7] =	sst s0  }
0x18: {  	s0 =	sld [smem:$0x3F9A];
	_ =	swait.ge [sflag:s4], $0x0  }
0x19: {  	s7 =	sld [smem:$0x3F9B]  }
0x1a: {  	s8 =	sadd.s32 $0xFFFFE003, lr  }
0x1b: {  	s9 =	sadd.s32 $0xFFFFFEF7, lr;
	s5 =	simm.s32 $0xFFFFFFFF;
	p2 =	slt.u32 s8, $0xFFFFF086  }
0x1c: {  	p1 =	slt.u32 s9, $0xF7A;
	s5 =	simm.s32 @!p2 $0x0  }
0x1d: {  	s5 =	simm.s32 @p1 $0x1;
	p0 =	seq.s32 s7, s2  }
0x1e: {  	s7 =	smul.u32 @!p0 $0xF7A, s2;
	p2 =	seq.s32 @!p0 s5, $0x0  }
0x1f: {  	s9 =	smul.u32 $0xF7A, s1;
	s8 =	simm.s32 @!p0 $0x1BF5;
	p2 =	por !p2, p0  }
0x20: {  	[sflag:s8] =	ssyncset.s32 @!p0 $0xFFFFF086;
	s6 =	sadd.s32 @!p0 s3, s7;
	s7 =	simm.s32 @!p0 $0x108  }
0x21: {  	s3 =	sadd.s32 s3, s9;
	s6 =	sadd.s32 @!p0 $0x88, s6;
	s7 =	simm.s32 @p2 $0x1082  }
0x22: {  	[simem:s7], [sflag:s8] =	dma.local @!p0 [hbm:s6], $0xF7A  }
0x23: {  	s9 =	sor.u32 $0xD0000000, s2;
	s6 =	simm.s32 $0x108;
	_ =	swait.ge @!p0 [sflag:s8], $0x0  }
0x24: {  	s3 =	sadd.s32 $0x88, s3;
	s6 =	simm.s32 @!p1 $0x1082;
	[sflag:s4] =	ssyncset.s32 $0xFFFFF086  }
0x25: {  	[simem:s6], [sflag:s4] =	dma.local [hbm:s3], $0xF7A  }
0x26: {  	[smem:$0x3F9B] =	sst s1;
	(tag) =	ssettag s2;
	_ =	strace s9  }
0x27: {  	s1 =	sld [smem:$0x3FAB]  }
0x28: {  	s2 =	sld [smem:$0x3FAC]  }
0x29: {  	s4 =	sld [smem:$0x3FAE]  }
0x2a: {  	p0 =	seq.s32 s5, $0x0;
	s5 =	sld [smem:$0x3FAF]  }
0x2b: {  	s6 =	sld [smem:$0x3FB0]  }
0x2c: {  	s7 =	sld [smem:$0x3FB1]  }
0x2d: {  	s3 =	simm.s32 $0x108;
	s8 =	sld [smem:$0x3FB2]  }
0x2e: {  	s3 =	simm.s32 @!p0 $0x1082;
	s9 =	sld [smem:$0x3FB3]  }
0x2f: {  	lr =	sadd.s32 s0, s3;
	s0 =	sld [smem:$0x3FAA]  }
0x30: {  	s3 =	sld [smem:$0x3FAD]  }
0x31: {  	[smem:$0x3FB6] =	sst s10  }
0x32: {  	s10 =	sld [smem:$0x3FB4];
	_ =	sdelay $0x3  }
0x33: {  	p0 =	seq.s32 s10, $0x1;
	s10 =	sld [smem:$0x3FB6];
	_ =	sdelay $0x3  }
0x34: {  	[smem:$0x3FB6] =	sst s10  }
0x35: {  	s10 =	sld [smem:$0x3FB5];
	_ =	sdelay $0x3  }
0x36: {  	p1 =	seq.s32 s10, $0x1;
	s10 =	sld [smem:$0x3FB6];
	_ =	sdelay $0x3  }
0x37: {  	[smem:$0x3FB6] =	sst s10  }
0x38: {  	s10 =	sld [smem:$0x3FB7]  }
0x39: {  	_ = 	snop;
	(pc) =	sbr.ind lr, $3  }
0x3a: {  	_ = 	snop  }
0x3b: {  	_ = 	snop  }
0x3c: {  	p2 =	seq.s32 s10, $0x1;
	s10 =	sld [smem:$0x3FB6]  }
0x3d: {  	_ =	shalt  }
0x3e: {  	_ =	shalt  }
0x3f: {  	_ =	shalt  }
0x40: {  	_ =	shalt  }
0x41: {  	_ =	shalt  }
0x42: {  	_ =	shalt  }
0x43: {  	_ =	shalt  }
0x44: {  	_ =	shalt  }
0x45: {  	_ =	shalt  }
0x46: {  	_ =	shalt  }
0x47: {  	_ =	shalt  }
0x48: {  	_ =	shalt  }
0x49: {  	_ =	shalt  }
0x4a: {  	_ =	shalt  }
0x4b: {  	_ =	shalt  }
0x4c: {  	_ =	shalt  }
0x4d: {  	_ =	shalt  }
0x4e: {  	_ =	shalt  }
0x4f: {  	_ =	shalt  }
0x50: {  	_ =	shalt  }
0x51: {  	_ =	shalt  }
0x52: {  	_ =	shalt  }
0x53: {  	_ =	shalt  }
0x54: {  	_ =	shalt  }
0x55: {  	_ =	shalt  }
0x56: {  	_ =	shalt  }
0x57: {  	_ =	shalt  }
0x58: {  	_ =	shalt  }
0x59: {  	_ =	shalt  }
0x5a: {  	_ =	shalt  }
0x5b: {  	_ =	shalt  }
0x5c: {  	_ =	shalt  }
0x5d: {  	_ =	shalt  }
0x5e: {  	_ =	shalt  }
0x5f: {  	_ =	shalt  }
0x60: {  	_ =	shalt  }
0x61: {  	_ =	shalt  }
0x62: {  	_ =	shalt  }
0x63: {  	_ =	shalt  }
0x64: {  	_ =	shalt  }
0x65: {  	_ =	shalt  }
0x66: {  	_ =	shalt  }
0x67: {  	_ =	shalt  }
0x68: {  	_ =	shalt  }
0x69: {  	_ =	shalt  }
0x6a: {  	_ =	shalt  }
0x6b: {  	_ =	shalt  }
0x6c: {  	_ =	shalt  }
0x6d: {  	_ =	shalt  }
0x6e: {  	_ =	shalt  }
0x6f: {  	_ =	shalt  }
0x70: {  	_ =	shalt  }
0x71: {  	_ =	shalt  }
0x72: {  	_ =	shalt  }
0x73: {  	_ =	shalt  }
0x74: {  	_ =	shalt  }
0x75: {  	_ =	shalt  }
0x76: {  	_ =	shalt  }
0x77: {  	_ =	shalt  }
0x78: {  	_ =	shalt  }
0x79: {  	_ =	shalt  }
0x7a: {  	_ =	shalt  }
0x7b: {  	_ =	shalt  }
0x7c: {  	_ =	shalt  }
0x7d: {  	_ =	shalt  }
0x7e: {  	_ =	shalt  }
0x7f: {  	_ =	shalt  }
0x80: {  	_ =	shalt  }
0x81: {  	_ =	shalt  }
0x82: {  	_ =	shalt  }
0x83: {  	_ =	shalt  }
0x84: {  	_ =	shalt  }
0x85: {  	_ =	shalt  }
0x86: {  	_ =	shalt  }
0x87: {  	_ =	shalt  }
.Lfunc_end0:
.L_simem_size_0:
called_computation.1_lowered:
.L_overlay_start_0:
0x88: {  	s2 =	sld [smem:$0x3FD9]  }
0x89: {  	s3 =	sld [smem:$0x3FFE];
	_ =	sdelay $0x1  }
0x8a: {  	s1 =	srdreg.scid  }
0x8b: {  	s0 =	sand.u32 $0x1, s1  }
0x8c: {  	s17 =	sshll.u32 s0, $0xA;
	s2 =	sadd.s32 s3, s2  }
0x8d: {  	s2 =	sadd.s32 s2, s17  }
0x8e: {  	[smem:$0x3FC2] =	sst s2  }
0x8f: {  	_ = 	snop  }
0x90: {  	s2 =	sld [smem:$0x3FD0];
	(tm) =	ssettm $0x1  }
0x91: {  	s18 =	sld [smem:$0x3FFB];
	_ =	sdelay $0x3  }
0x92: {  	_ =	strace s18  }
0x93: {  	s3 =	sld [smem:$0x3FFC];
	_ =	sdelay $0x3  }
0x94: {  	_ =	strace s3  }
0x95: {  	s3 =	sld [smem:$0x3FFD];
	_ =	sdelay $0x3  }
0x96: {  	_ =	strace s3  }
0x97: {  	_ =	strace $0x8FFFFFFF  }
0x98: {  	s19 =	sld [smem:$0x3FDB];
	_ =	sdelay $0x1  }
0x99: {  	s4 =	simm.s32 $_scs_section_size  }
0x9a: {  	s5 =	simm.s32 $_size__tile_overlayer_lowered;
	s6 =	simm.s32 $_tile_overlayer_lowered  }
0x9b: {  	s22 =	simm.s32 $0x1BFF;
	s21 =	sshll.u32 s6, $0x1;
	s3 =	sadd.s32 s4, s19  }
0x9c: {  	s7 =	simm.s32 $0x0;
	s20 =	sshll.u32 s5, $0x1;
	s5 =	sadd.s32 s21, s3  }
0x9d: {  	[timem:s7], [sflag:s22] =	dma.local [hbm:s5], s20  }
0x9e: {  	_ =	swait.ge [sflag:s22], s20  }
0x9f: {  	s4 =	ssub.s32 $0x0, s20;
	[sflag:s22] =	ssyncset.done $0x0  }
0xa0: {  	[sflag:s22] =	ssyncadd.s32 s4;
	_ =	sdelay $0x1  }
0xa1: {  	s23 =	simm.s32 $0x1B8B  }
0xa2: {  	_ =	swait.ge [sflag:s23], $0x1  }
0xa3: {  	[sflag:s23] =	ssyncset.done $0x0  }
0xa4: {  	s25 =	simm.s32 $0x1B8E;
	s24 =	sld [smem:$0x3FFE];
	[sflag:s23] =	ssyncadd.s32 $0xFFFFFFFF  }
0xa5: {  	s26 =	simm.s32 $execute0_lowered;
	[smem:$0x3FD2] =	sst s25  }
0xa6: {  	s5 =	sshll.u32 s26, $0x1;
	_ =	strace $0x80000049;
	[dreg:$0x1] =	wrdreg $0xFFFFFFFF  }
0xa7: {  	s28 =	simm.s32 $_size_execute0_lowered;
	s3 =	sadd.s32 s3, s5;
	[dreg:$0x0] =	wrdreg $0x0  }
0xa8: {  	s5 =	sshll.u32 s28, $0x1;
	[dreg:$0x2] =	wrdreg s3  }
0xa9: {  	[dreg:$0x3] =	wrdreg s5  }
0xaa: {  	[dreg:$0x4] =	wrdreg $0xC0  }
0xab: {  	_ =	task [dreg:s7], $0x5FFFF  }
0xac: {  	[dreg:$0x1] =	wrdreg $0xFFFFFFFF  }
0xad: {  	[dreg:$0x0] =	wrdreg $0x60  }
0xae: {  	[dreg:$0x2] =	wrdreg s24  }
0xaf: {  	[dreg:$0x3] =	wrdreg s2  }
0xb0: {  	[dreg:$0x4] =	wrdreg $0xA8000  }
0xb1: {  	[dreg:$0x5] =	wrdreg $0x9  }
0xb2: {  	_ =	task.clear_ibuf [dreg:s7], $0x6FFFF;
	_ =	strace $0x90000049  }
0xb3: {  	s29 =	simm.s32 $0x9;
	_ =	strace $0x8000004B  }
0xb4: {  	_ =	swait.ge [sflag:s29], $0x1  }
0xb5: {  	[sflag:s29] =	ssyncadd.s32 $0xFFFFFFFF  }
0xb6: {  	_ =	strace $0x9000004B  }
0xb7: {  	_ =	sfence  }
0xb8: {  	s30 =	sld [smem:$0x0];
	_ =	sdelay $0x2  }
0xb9: {  	s31 =	sshll.u32 s1, $0xD;
	s1 =	sshrl.u32 s1, $0x2  }
0xba: {  	s3 =	sand.u32 $0x4000, s31;
	s1 =	sadd.s32 s1, s30  }
0xbb: {  	s0 =	sor.u32 s3, s0;
	s1 =	sshll.u32 s1, $0x11  }
0xbc: {  	s0 =	sor.u32 s1, s0  }
0xbd: {  	s0 =	sadd.s32 $0x8F2B, s0  }
0xbe: {  	[sflag:s0] =	ssyncadd.remote.s32 $0x1  }
0xbf: {  	_ =	sfence.sel $0xFFFF  }
0xc0: {  	[dreg:$0x0] =	wrdreg $0xFFFFFFFF;
	(pc) =	sbr.abs _section_cstart, $3  }
0xc1: {  	[dreg:$0x1] =	wrdreg $0xFFFFFFFF  }
0xc2: {  	_ =	task.clear_ibuf [dreg:s7], $0x2FFFF;
	_ =	strace $0x9FFFFFFF  }
0xc3: {  	(tm) =	ssettm $0x7FFFFFFF  }
tec
execute0_lowered:
.L_overlay_start_1:
0x0: {  	(tag) =	ssettag $0x1  }
0x1: {  	s0 =	rddreg [dreg:$0x0]  }
0x2: {  	s1 =	rddreg [dreg:$0x1]  }
0x3: {  	s2 =	rddreg [dreg:$0x2];
	s4 =	simm.s32 $0x0  }
0x4: {  	s3 =	srdreg.scid;
	s12 =	stileid.u32;
	s28 =	simm.s32 $0x2  }
0x5: {  	s29 =	simm.s32 $0x5800;
	s31 =	simm.s32 $0x9;
	[smem:$0x7FF] =	sst s4  }
0x6: {  	s3 =	sand.u32 $0x1, s3;
	s5 =	smul.u32 $0x2800, s12;
	s6 =	sshll.u32 s12, $0x1  }
0x7: {  	s8 =	sadd.s32 $0xC400, s0;
	s9 =	sadd.s32 $0x2600, s0;
	s23 =	smul.u32 $0x5000, s12  }
0x8: {  	s11 =	sadd.s32 $0x66200, s0;
	s14 =	smul.u32 $0x50000, s12;
	s12 =	simm.s32 $0x0  }
0x9: {  	_ =	strace $0x8000004A;
	s7 =	smul.u32 $0x28000, s3;
	s6 =	sor.u32 s3, s6  }
0xa: {  	[dreg:$0xd] =	wrdreg s11;
	s18 =	ssub.s32 $0x2, s3;
	s3 =	smul.u32 $0x2800, s3  }
0xb: {  	s10 =	smul.u32 $0x2800, s6;
	s19 =	sshrl.u32 s18, $0x1;
	s5 =	sadd.s32 s5, s7  }
0xc: {  	p0 =	seq.s32 s6, $0x1F;
	s3 =	sadd.s32 s3, s23;
	s0 =	sadd.s32 s5, s0  }
0xd: {  	s10 =	sshrl.u32 s10, $0x3;
	s5 =	ssub.s32 s18, s19;
	s7 =	sor.u32 $0x460, s3  }
0xe: {  	s16 =	sor.u32 $0x3C0, s3;
	s20 =	sadd.s32 s8, s10;
	s21 =	sadd.s32 s9, s10  }
0xf: {  	s22 =	sor.u32 $0x14, s10;
	s25 =	sor.u32 $0x28, s10;
	[dreg:$0xe] =	wrdreg s20  }
0x10: {  	s30 =	sor.u32 $0x3C, s10;
	s0 =	sadd.s32 $0x68A00, s0;
	[dreg:$0xf] =	wrdreg s21  }
0x11: {  	s7 =	sshrl.u32 s7, $0x3;
	s24 =	sadd.s32 s8, s22;
	[dreg:$0x17] =	wrdreg s0  }
0x12: {  	s18 =	sshrl.u32 s16, $0x3;
	s6 =	sadd.s32 s9, s22;
	[dreg:$0x10] =	wrdreg s24  }
0x13: {  	s16 =	simm.s32 $0xD;
	s26 =	sadd.s32 s8, s25;
	[dreg:$0x11] =	wrdreg s6  }
0x14: {  	s10 =	simm.s32 $0x7;
	s11 =	sadd.s32 s9, s25;
	[dreg:$0x12] =	wrdreg s26  }
0x15: {  	s13 =	sadd.s32 s8, s30;
	s15 =	sadd.s32 s7, s9;
	[dreg:$0x13] =	wrdreg s11  }
0x16: {  	s17 =	sadd.s32 s7, s8;
	s19 =	sadd.s32 s18, s9;
	[dreg:$0x14] =	wrdreg s13  }
0x17: {  	s20 =	sor.u32 $0x320, s3;
	s21 =	sadd.s32 s18, s8;
	[dreg:$0x5] =	wrdreg s15  }
0x18: {  	s3 =	sor.u32 $0x280, s3;
	s25 =	sshrl.u32 s14, $0x2;
	[dreg:$0x6] =	wrdreg s17  }
0x19: {  	s18 =	simm.s32 $0x100;
	s0 =	simm.s32 $0x5;
	[dreg:$0x7] =	wrdreg s19  }
0x1a: {  	s6 =	sadd.s32 s9, s30;
	s22 =	sshrl.u32 s20, $0x3;
	[dreg:$0x8] =	wrdreg s21  }
0x1b: {  	s3 =	sshrl.u32 s3, $0x3;
	s7 =	sadd.s32 s25, s2;
	s30 =	smax.u32 s5, $0x1  }
0x1c: {  	s17 =	simm.s32 $0x400;
	s19 =	simm.s32 $0x500;
	s20 =	simm.s32 $0x200  }
0x1d: {  	s21 =	simm.s32 $0x600;
	s25 =	simm.s32 $0xA0;
	[dreg:$0x15] =	wrdreg s6  }
0x1e: {  	s5 =	simm.s32 $0x3;
	s11 =	simm.s32 $0x8;
	[dreg:$0x16] =	wrdreg s7  }
0x1f: {  	s6 =	simm.s32 $0xF0;
	s23 =	sadd.s32 s22, s9;
	[dreg:$0x18] =	wrdreg s30  }
0x20: {  	s24 =	sadd.s32 s22, s8;
	s26 =	sadd.s32 s3, s9;
	[dreg:$0x9] =	wrdreg s23  }
0x21: {  	s3 =	sadd.s32 s3, s8;
	s22 =	simm.s32 $0x300;
	[dreg:$0xa] =	wrdreg s24  }
0x22: {  	s7 =	simm.s32 $0x6;
	s8 =	simm.s32 $0xC;
	[dreg:$0xb] =	wrdreg s26  }
0x23: {  	s9 =	simm.s32 $0x4;
	s6 =	simm.s32 @!p0 $0x4B0;
	[dreg:$0xc] =	wrdreg s3  }
0x24: {  	s23 =	simm.s32 $0x700;
	s24 =	simm.s32 $0x1;
	s26 =	simm.s32 $0x800  }
0x25: {  	s3 =	simm.s32 $0xB;
	[dreg:$0x4] =	wrdreg s6;
	s6 =	simm.s32 $0xA  }
.LBB2_1:
0x26: {  	s13 =	rddreg [dreg:$0xe]  }
0x27: {  	[tilespmem:s4], [sflag:$0x1] =	stream.linear.gather [hbm4b:s13+s4], $0xA0, $0x38;
	[tilespmem:$0x1E800] =	vst v63  }
0x28: {  	s15 =	rddreg [dreg:$0xf]  }
0x29: {  	[tilespmem:s17], [sflag:$0x5] =	stream.linear.gather [hbm4b:s15+s4], $0xA0, $0x38;
	[tilespmem:$0x1E800] =	vst v63  }
0x2a: {  	s30 =	rddreg [dreg:$0x10]  }
0x2b: {  	[tilespmem:s18], [sflag:$0x2] =	stream.linear.gather [hbm4b:s30+s4], $0xA0, $0x38;
	[tilespmem:$0x1E800] =	vst v63  }
0x2c: {  	s14 =	rddreg [dreg:$0x11]  }
0x2d: {  	[tilespmem:s19], [sflag:$0x6] =	stream.linear.gather [hbm4b:s14+s4], $0xA0, $0x38;
	[tilespmem:$0x1E800] =	vst v63  }
0x2e: {  	s15 =	rddreg [dreg:$0x12]  }
0x2f: {  	[tilespmem:s20], [sflag:$0x3] =	stream.linear.gather [hbm4b:s15+s4], $0xA0, $0x38;
	[tilespmem:$0x1E800] =	vst v63  }
0x30: {  	s30 =	rddreg [dreg:$0x13]  }
0x31: {  	[tilespmem:s21], [sflag:$0x7] =	stream.linear.gather [hbm4b:s30+s4], $0xA0, $0x38;
	[tilespmem:$0x1E800] =	vst v63  }
0x32: {  	s14 =	rddreg [dreg:$0x14]  }
0x33: {  	[tilespmem:s22], [sflag:$0x4] =	stream.linear.gather [hbm4b:s14+s4], $0xA0, $0x38;
	[tilespmem:$0x1E800] =	vst v63  }
0x34: {  	s15 =	rddreg [dreg:$0x15]  }
0x35: {  	[tilespmem:s23], [sflag:$0x8] =	stream.linear.gather [hbm4b:s15+s4], $0xA0, $0x38;
	[tilespmem:$0x1E800] =	vst v63  }
0x36: {  	_ =	swait.ge [sflag:s24], $0xA0  }
0x37: {  	[sflag:s24] =	ssyncset.done $0x0  }
0x38: {  	s30 =	stileid.u32;
	[sflag:s24] =	ssyncadd.s32 $0xFFFFFF60  }
0x39: {  	[tilespmem:s26], [sflag:$0x9] =	stream.indirect.gather [hbm4b:s1+s25], $0x80, s4, s25, $0xb8;
	[tilespmem:$0x1E800] =	vst v63  }
0x3a: {  	s13 =	sshll.u32 s30, $0x6;
	_ =	swait.ge [sflag:s28], $0xA0  }
0x3b: {  	s13 =	sor.u32 $0x1C0D, s13;
	[sflag:s28] =	ssyncset.done $0x0;
	s14 =	rddreg [dreg:$0x16]  }
0x3c: {  	s15 =	rddreg [dreg:$0xd];
	[sflag:s28] =	ssyncadd.s32 $0xFFFFFF60;
	s14 =	sshrl.u32 s14, $0x3  }
0x3d: {  	[tilespmem:s29], [sflag:$0xA] =	stream.indirect.gather [hbm4b:s1+s25], $0x80, s18, s25, $0xb8;
	[tilespmem:$0x1E800] =	vst v63  }
0x3e: {  	[spmem:s14], [sflag:s13] =	dma.local [hbm:s15], $0x2800  }
0x3f: {  	_ =	swait.ge [sflag:s16], $0x2800  }
0x40: {  	[sflag:s16] =	ssyncset.done $0x0  }
0x41: {  	[sflag:s16] =	ssyncadd.s32 $0xFFFFD800  }
0x42: {  	[bflag:$0x0] =	sbarrier.arrive $0xFFFF  }
0x43: {  	_ =	swait.ge [sflag:s31], $0x5000  }
0x44: {  	[sflag:s31] =	ssyncset.done $0x0  }
0x45: {  	[sflag:s31] =	ssyncadd.s32 $0xFFFFB000  }
0x46: {  	_ =	swait.ge [sflag:s0], $0xA0  }
0x47: {  	[sflag:s0] =	ssyncset.done $0x0  }
0x48: {  	s15 =	simm.s32 $0x0;
	[sflag:s0] =	ssyncadd.s32 $0xFFFFFF60  }
0x49: {  	[spmem:s2] =	stream.indirect.scatter.add.f32 [tilespmem:s26], [sflag:$0xB], $0x80, s17, s25, $0xb8;
	[tilespmem:$0x1E800] =	vst v63  }
.LBB2_2:
0x4a: {  	_ =	swait.ge [sflag:s3], $0x5000  }
0x4b: {  	s16 =	rddreg [dreg:$0xc];
	[sflag:s3] =	ssyncset.done $0x0  }
0x4c: {  	s30 =	rddreg [dreg:$0xb];
	[sflag:s3] =	ssyncadd.s32 $0xFFFFB000;
	s16 =	sadd.s32 s15, s16  }
0x4d: {  	[tilespmem:s4], [sflag:$0x1] =	stream.linear.gather [hbm4b:s16+s4], $0xA0, $0x38;
	[tilespmem:$0x1E800] =	vst v63  }
0x4e: {  	s30 =	sadd.s32 s15, s30  }
0x4f: {  	[tilespmem:s17], [sflag:$0x5] =	stream.linear.gather [hbm4b:s30+s4], $0xA0, $0x38;
	[tilespmem:$0x1E800] =	vst v63  }
0x50: {  	_ =	swait.ge [sflag:s5], $0xA0  }
0x51: {  	[sflag:s5] =	ssyncset.done $0x0  }
0x52: {  	[sflag:s5] =	ssyncadd.s32 $0xFFFFFF60  }
0x53: {  	[tilespmem:s26], [sflag:$0x9] =	stream.indirect.gather [hbm4b:s1+s25], $0x80, s20, s25, $0xb8;
	[tilespmem:$0x1E800] =	vst v63  }
0x54: {  	_ =	swait.ge [sflag:s6], $0x5000  }
0x55: {  	[sflag:s6] =	ssyncset.done $0x0  }
0x56: {  	[sflag:s6] =	ssyncadd.s32 $0xFFFFB000  }
0x57: {  	_ =	swait.ge [sflag:s7], $0xA0  }
0x58: {  	[sflag:s7] =	ssyncset.done $0x0  }
0x59: {  	[sflag:s7] =	ssyncadd.s32 $0xFFFFFF60  }
0x5a: {  	[spmem:s2] =	stream.indirect.scatter.add.f32 [tilespmem:s29], [sflag:$0xC], $0x80, s19, s25, $0xb8;
	[tilespmem:$0x1E800] =	vst v63  }
0x5b: {  	_ =	swait.ge [sflag:s8], $0x5000  }
0x5c: {  	s16 =	rddreg [dreg:$0xa];
	[sflag:s8] =	ssyncset.done $0x0  }
0x5d: {  	s30 =	rddreg [dreg:$0x9];
	[sflag:s8] =	ssyncadd.s32 $0xFFFFB000;
	s16 =	sadd.s32 s15, s16  }
0x5e: {  	[tilespmem:s18], [sflag:$0x2] =	stream.linear.gather [hbm4b:s16+s4], $0xA0, $0x38;
	[tilespmem:$0x1E800] =	vst v63  }
0x5f: {  	s30 =	sadd.s32 s15, s30  }
0x60: {  	[tilespmem:s19], [sflag:$0x6] =	stream.linear.gather [hbm4b:s30+s4], $0xA0, $0x38;
	[tilespmem:$0x1E800] =	vst v63  }
0x61: {  	_ =	swait.ge [sflag:s9], $0xA0  }
0x62: {  	[sflag:s9] =	ssyncset.done $0x0  }
0x63: {  	[sflag:s9] =	ssyncadd.s32 $0xFFFFFF60  }
0x64: {  	[tilespmem:s29], [sflag:$0xA] =	stream.indirect.gather [hbm4b:s1+s25], $0x80, s22, s25, $0xb8;
	[tilespmem:$0x1E800] =	vst v63  }
0x65: {  	_ =	swait.ge [sflag:s31], $0x5000  }
0x66: {  	[sflag:s31] =	ssyncset.done $0x0  }
0x67: {  	[sflag:s31] =	ssyncadd.s32 $0xFFFFB000  }
0x68: {  	_ =	swait.ge [sflag:s10], $0xA0  }
0x69: {  	[sflag:s10] =	ssyncset.done $0x0  }
0x6a: {  	[sflag:s10] =	ssyncadd.s32 $0xFFFFFF60  }
0x6b: {  	[spmem:s2] =	stream.indirect.scatter.add.f32 [tilespmem:s26], [sflag:$0xB], $0x80, s21, s25, $0xb8;
	[tilespmem:$0x1E800] =	vst v63  }
0x6c: {  	_ =	swait.ge [sflag:s3], $0x5000  }
0x6d: {  	s16 =	rddreg [dreg:$0x8];
	[sflag:s3] =	ssyncset.done $0x0  }
0x6e: {  	s30 =	rddreg [dreg:$0x7];
	[sflag:s3] =	ssyncadd.s32 $0xFFFFB000;
	s16 =	sadd.s32 s15, s16  }
0x6f: {  	[tilespmem:s20], [sflag:$0x3] =	stream.linear.gather [hbm4b:s16+s4], $0xA0, $0x38;
	[tilespmem:$0x1E800] =	vst v63  }
0x70: {  	s30 =	sadd.s32 s15, s30  }
0x71: {  	[tilespmem:s21], [sflag:$0x7] =	stream.linear.gather [hbm4b:s30+s4], $0xA0, $0x38;
	[tilespmem:$0x1E800] =	vst v63  }
0x72: {  	_ =	swait.ge [sflag:s24], $0xA0  }
0x73: {  	[sflag:s24] =	ssyncset.done $0x0  }
0x74: {  	[sflag:s24] =	ssyncadd.s32 $0xFFFFFF60  }
0x75: {  	[tilespmem:s26], [sflag:$0x9] =	stream.indirect.gather [hbm4b:s1+s25], $0x80, s4, s25, $0xb8;
	[tilespmem:$0x1E800] =	vst v63  }
0x76: {  	_ =	swait.ge [sflag:s6], $0x5000  }
0x77: {  	[sflag:s6] =	ssyncset.done $0x0  }
0x78: {  	[sflag:s6] =	ssyncadd.s32 $0xFFFFB000  }
0x79: {  	_ =	swait.ge [sflag:s11], $0xA0  }
0x7a: {  	[sflag:s11] =	ssyncset.done $0x0  }
0x7b: {  	[sflag:s11] =	ssyncadd.s32 $0xFFFFFF60  }
0x7c: {  	[spmem:s2] =	stream.indirect.scatter.add.f32 [tilespmem:s29], [sflag:$0xC], $0x80, s23, s25, $0xb8;
	[tilespmem:$0x1E800] =	vst v63  }
0x7d: {  	_ =	swait.ge [sflag:s8], $0x5000  }
0x7e: {  	s16 =	rddreg [dreg:$0x6];
	[sflag:s8] =	ssyncset.done $0x0  }
0x7f: {  	s30 =	rddreg [dreg:$0x5];
	[sflag:s8] =	ssyncadd.s32 $0xFFFFB000;
	s16 =	sadd.s32 s15, s16  }
0x80: {  	[tilespmem:s22], [sflag:$0x4] =	stream.linear.gather [hbm4b:s16+s4], $0xA0, $0x38;
	[tilespmem:$0x1E800] =	vst v63  }
0x81: {  	s30 =	sadd.s32 s15, s30  }
0x82: {  	[tilespmem:s23], [sflag:$0x8] =	stream.linear.gather [hbm4b:s30+s4], $0xA0, $0x38;
	[tilespmem:$0x1E800] =	vst v63  }
0x83: {  	_ =	swait.ge [sflag:s28], $0xA0  }
0x84: {  	[sflag:s28] =	ssyncset.done $0x0  }
0x85: {  	[sflag:s28] =	ssyncadd.s32 $0xFFFFFF60  }
0x86: {  	[tilespmem:s29], [sflag:$0xA] =	stream.indirect.gather [hbm4b:s1+s25], $0x80, s18, s25, $0xb8;
	[tilespmem:$0x1E800] =	vst v63  }
0x87: {  	_ =	swait.ge [sflag:s31], $0x5000  }
0x88: {  	[sflag:s31] =	ssyncset.done $0x0  }
0x89: {  	[sflag:s31] =	ssyncadd.s32 $0xFFFFB000  }
0x8a: {  	_ =	swait.ge [sflag:s0], $0xA0  }
0x8b: {  	s15 =	sadd.s32 $0x50, s15;
	s30 =	rddreg [dreg:$0x4]  }
0x8c: {  	p0 =	sne.s32 s30, s15  }
.Ltmp0:
0x8d: {  	_ = 	snop;
	(pc) =	sbr.rel @p0 .LBB2_2-.Ltmp0, $4  }
0x8e: {  	_ = 	snop  }
0x8f: {  	[sflag:s0] =	ssyncset.done $0x0  }
0x90: {  	[sflag:s0] =	ssyncadd.s32 $0xFFFFFF60  }
0x91: {  	[spmem:s2] =	stream.indirect.scatter.add.f32 [tilespmem:s26], [sflag:$0xB], $0x80, s17, s25, $0xb8;
	[tilespmem:$0x1E800] =	vst v63  }
0x92: {  	_ =	swait.ge [sflag:s3], $0x5000  }
0x93: {  	[sflag:s3] =	ssyncset.done $0x0  }
0x94: {  	[sflag:s3] =	ssyncadd.s32 $0xFFFFB000  }
0x95: {  	_ =	swait.ge [sflag:s5], $0xA0  }
0x96: {  	[sflag:s5] =	ssyncset.done $0x0  }
0x97: {  	[sflag:s5] =	ssyncadd.s32 $0xFFFFFF60  }
0x98: {  	[tilespmem:s26], [sflag:$0x9] =	stream.indirect.gather [hbm4b:s1+s25], $0x80, s20, s25, $0xb8;
	[tilespmem:$0x1E800] =	vst v63  }
0x99: {  	_ =	swait.ge [sflag:s6], $0x5000  }
0x9a: {  	[sflag:s6] =	ssyncset.done $0x0  }
0x9b: {  	[sflag:s6] =	ssyncadd.s32 $0xFFFFB000  }
0x9c: {  	_ =	swait.ge [sflag:s7], $0xA0  }
0x9d: {  	[sflag:s7] =	ssyncset.done $0x0  }
0x9e: {  	[sflag:s7] =	ssyncadd.s32 $0xFFFFFF60  }
0x9f: {  	[spmem:s2] =	stream.indirect.scatter.add.f32 [tilespmem:s29], [sflag:$0xC], $0x80, s19, s25, $0xb8;
	[tilespmem:$0x1E800] =	vst v63  }
0xa0: {  	_ =	swait.ge [sflag:s8], $0x5000  }
0xa1: {  	[sflag:s8] =	ssyncset.done $0x0  }
0xa2: {  	[sflag:s8] =	ssyncadd.s32 $0xFFFFB000  }
0xa3: {  	_ =	swait.ge [sflag:s9], $0xA0  }
0xa4: {  	[sflag:s9] =	ssyncset.done $0x0  }
0xa5: {  	[sflag:s9] =	ssyncadd.s32 $0xFFFFFF60  }
0xa6: {  	[tilespmem:s29], [sflag:$0xA] =	stream.indirect.gather [hbm4b:s1+s25], $0x80, s22, s25, $0xb8;
	[tilespmem:$0x1E800] =	vst v63  }
0xa7: {  	_ =	swait.ge [sflag:s31], $0x5000  }
0xa8: {  	[sflag:s31] =	ssyncset.done $0x0  }
0xa9: {  	[sflag:s31] =	ssyncadd.s32 $0xFFFFB000  }
0xaa: {  	_ =	swait.ge [sflag:s10], $0xA0  }
0xab: {  	[sflag:s10] =	ssyncset.done $0x0  }
0xac: {  	[sflag:s10] =	ssyncadd.s32 $0xFFFFFF60  }
0xad: {  	[spmem:s2] =	stream.indirect.scatter.add.f32 [tilespmem:s26], [sflag:$0xB], $0x80, s21, s25, $0xb8;
	[tilespmem:$0x1E800] =	vst v63  }
0xae: {  	_ =	swait.ge [sflag:s6], $0x5000  }
0xaf: {  	[sflag:s6] =	ssyncset.done $0x0  }
0xb0: {  	[sflag:s6] =	ssyncadd.s32 $0xFFFFB000  }
0xb1: {  	_ =	swait.ge [sflag:s11], $0xA0  }
0xb2: {  	[sflag:s11] =	ssyncset.done $0x0  }
0xb3: {  	[sflag:s11] =	ssyncadd.s32 $0xFFFFFF60  }
0xb4: {  	[spmem:s2] =	stream.indirect.scatter.add.f32 [tilespmem:s29], [sflag:$0xC], $0x80, s23, s25, $0xb8;
	[tilespmem:$0x1E800] =	vst v63  }
0xb5: {  	_ =	swait.ge [sflag:s3], $0x5000  }
0xb6: {  	[sflag:s3] =	ssyncset.done $0x0  }
0xb7: {  	[sflag:s3] =	ssyncadd.s32 $0xFFFFB000  }
0xb8: {  	_ =	swait.ge [sflag:s8], $0x5000  }
0xb9: {  	[sflag:s8] =	ssyncset.done $0x0  }
0xba: {  	[sflag:s8] =	ssyncadd.s32 $0xFFFFB000  }
0xbb: {  	[bflag:$0x0] =	sbarrier.arrive $0xFFFF  }
0xbc: {  	s16 =	simm.s32 $0xD;
	s15 =	rddreg [dreg:$0x17]  }
0xbd: {  	[hbm:s15], [sflag:s13] =	dma.local [spmem:s14], $0x2800  }
0xbe: {  	_ =	swait.ge [sflag:s16], $0x2800  }
0xbf: {  	s12 =	sadd.s32 $0x1, s12;
	s30 =	rddreg [dreg:$0x18]  }
0xc0: {  	p0 =	sne.s32 s12, s30  }
.Ltmp1:
0xc1: {  	_ = 	snop;
	(pc) =	sbr.rel @p0 .LBB2_1-.Ltmp1, $3  }
0xc2: {  	_ =	sdelay $0x1  }
0xc3: {  	[sflag:s16] =	ssyncset.done $0x0  }
0xc4: {  	[sflag:s16] =	ssyncadd.s32 $0xFFFFD800  }
0xc5: {  	_ =	sfence.sel $0x180000  }
0xc6: {  	[bflag:$0x0] =	sbarrier.arrive $0xFFFF  }
0xc7: {  	_ =	strace $0x9000004A  }
0xc8: {  	s0 =	stileid.u32;
	[bflag:$0x2] =	sbarrier.arrive $0xFFFF  }
0xc9: {  	p0 =	sne.s32 s0, $0x0;
	s0 =	rddreg [dreg:$0x3]  }
0xca: {  	s0 =	sadd.s32 @!p0 $0x100000, s0  }
0xcb: {  	[sflag:s0] =	ssyncadd.tile.s32 @!p0 $0x1;
	_ =	shalt  }
.Lfunc_end2:
_tile_overlayer_lowered:
.L_overlay_start_2:
0xcc: {  	(tag) =	ssettag $0x2  }
0xcd: {  	s0 =	rddreg [dreg:$0x0];
	s2 =	stileid.u32  }
0xce: {  	s1 =	rddreg [dreg:$0x1];
	p0 =	sne.s32 s2, $0x0  }
0xcf: {  	s3 =	rddreg [dreg:$0x2];
	[bflag:$0x3] =	sbarrier.arrive $0xFFFF;
	s2 =	simm.s32 @!p0 $0x1C0D  }
0xd0: {  	[timem:s3], [sflag:s2] =	dma.local @!p0 [hbm:s0], s1  }
0xd1: {  	s0 =	simm.s32 @!p0 $0xD  }
0xd2: {  	_ =	swait.ge @!p0 [sflag:s0], s1  }
0xd3: {  	s1 =	ssub.s32 @!p0 $0x0, s1;
	[sflag:s0] =	ssyncset.done @!p0 $0x0  }
0xd4: {  	[sflag:s0] =	ssyncadd.s32 @!p0 s1  }
0xd5: {  	[bflag:$0x3] =	sbarrier.arrive $0xFFFF  }
0xd6: {  	_ =	shalt  }

// kernel: kernel.7.cloned.1.call-start
scs
__scs_entry_jumppad:
0x0: {  	(pc) =	sbr.rel $0x88, $3  }
0x1: {  	(tag) =	ssettag $0x0;
	lr =	simm.s32 $0x1  }
0x2: {  	[smem:$0x3F9B] =	sst lr;
	_ =	strace $0xD0000000  }
0x3: {  	_ = 	snop  }
0x4: {  	_ = 	snop  }
0x5: {  	_ = 	snop  }
0x6: {  	_ = 	snop  }
0x7: {  	_ = 	snop  }
__scs_overlays_trampoline_lowered:
0x8: {  	[smem:$0x3FAA] =	sst s0  }
0x9: {  	[smem:$0x3FAB] =	sst s1  }
0xa: {  	[smem:$0x3FAC] =	sst s2  }
0xb: {  	[smem:$0x3FAD] =	sst s3  }
0xc: {  	[smem:$0x3FAE] =	sst s4  }
0xd: {  	[smem:$0x3FAF] =	sst s5  }
0xe: {  	[smem:$0x3FB0] =	sst s6  }
0xf: {  	[smem:$0x3FB1] =	sst s7  }
0x10: {  	[smem:$0x3FB2] =	sst s8  }
0x11: {  	[smem:$0x3FB3] =	sst s9;
	s0 =	simm.s32 @!p0 $0x0  }
0x12: {  	s1 =	sld [smem:$0x3F99];
	s0 =	simm.s32 @p0 $0x1  }
0x13: {  	[smem:$0x3FB4] =	sst s0;
	s0 =	simm.s32 @!p1 $0x0  }
0x14: {  	s2 =	sld [smem:$0x3F98];
	s0 =	simm.s32 @p1 $0x1  }
0x15: {  	[smem:$0x3FB5] =	sst s0;
	s0 =	simm.s32 @!p2 $0x0  }
0x16: {  	s3 =	sld [smem:$0x3FDB];
	s0 =	simm.s32 @p2 $0x1  }
0x17: {  	s4 =	simm.s32 $0x1BF5;
	[smem:$0x3FB7] =	sst s0  }
0x18: {  	s0 =	sld [smem:$0x3F9A];
	_ =	swait.ge [sflag:s4], $0x0  }
0x19: {  	s7 =	sld [smem:$0x3F9B]  }
0x1a: {  	s8 =	sadd.s32 $0xFFFFE003, lr  }
0x1b: {  	s9 =	sadd.s32 $0xFFFFFEF7, lr;
	s5 =	simm.s32 $0xFFFFFFFF;
	p2 =	slt.u32 s8, $0xFFFFF086  }
0x1c: {  	p1 =	slt.u32 s9, $0xF7A;
	s5 =	simm.s32 @!p2 $0x0  }
0x1d: {  	s5 =	simm.s32 @p1 $0x1;
	p0 =	seq.s32 s7, s2  }
0x1e: {  	s7 =	smul.u32 @!p0 $0xF7A, s2;
	p2 =	seq.s32 @!p0 s5, $0x0  }
0x1f: {  	s9 =	smul.u32 $0xF7A, s1;
	s8 =	simm.s32 @!p0 $0x1BF5;
	p2 =	por !p2, p0  }
0x20: {  	[sflag:s8] =	ssyncset.s32 @!p0 $0xFFFFF086;
	s6 =	sadd.s32 @!p0 s3, s7;
	s7 =	simm.s32 @!p0 $0x108  }
0x21: {  	s3 =	sadd.s32 s3, s9;
	s6 =	sadd.s32 @!p0 $0x88, s6;
	s7 =	simm.s32 @p2 $0x1082  }
0x22: {  	[simem:s7], [sflag:s8] =	dma.local @!p0 [hbm:s6], $0xF7A  }
0x23: {  	s9 =	sor.u32 $0xD0000000, s2;
	s6 =	simm.s32 $0x108;
	_ =	swait.ge @!p0 [sflag:s8], $0x0  }
0x24: {  	s3 =	sadd.s32 $0x88, s3;
	s6 =	simm.s32 @!p1 $0x1082;
	[sflag:s4] =	ssyncset.s32 $0xFFFFF086  }
0x25: {  	[simem:s6], [sflag:s4] =	dma.local [hbm:s3], $0xF7A  }
0x26: {  	[smem:$0x3F9B] =	sst s1;
	(tag) =	ssettag s2;
	_ =	strace s9  }
0x27: {  	s1 =	sld [smem:$0x3FAB]  }
0x28: {  	s2 =	sld [smem:$0x3FAC]  }
0x29: {  	s4 =	sld [smem:$0x3FAE]  }
0x2a: {  	p0 =	seq.s32 s5, $0x0;
	s5 =	sld [smem:$0x3FAF]  }
0x2b: {  	s6 =	sld [smem:$0x3FB0]  }
0x2c: {  	s7 =	sld [smem:$0x3FB1]  }
0x2d: {  	s3 =	simm.s32 $0x108;
	s8 =	sld [smem:$0x3FB2]  }
0x2e: {  	s3 =	simm.s32 @!p0 $0x1082;
	s9 =	sld [smem:$0x3FB3]  }
0x2f: {  	lr =	sadd.s32 s0, s3;
	s0 =	sld [smem:$0x3FAA]  }
0x30: {  	s3 =	sld [smem:$0x3FAD]  }
0x31: {  	[smem:$0x3FB6] =	sst s10  }
0x32: {  	s10 =	sld [smem:$0x3FB4];
	_ =	sdelay $0x3  }
0x33: {  	p0 =	seq.s32 s10, $0x1;
	s10 =	sld [smem:$0x3FB6];
	_ =	sdelay $0x3  }
0x34: {  	[smem:$0x3FB6] =	sst s10  }
0x35: {  	s10 =	sld [smem:$0x3FB5];
	_ =	sdelay $0x3  }
0x36: {  	p1 =	seq.s32 s10, $0x1;
	s10 =	sld [smem:$0x3FB6];
	_ =	sdelay $0x3  }
0x37: {  	[smem:$0x3FB6] =	sst s10  }
0x38: {  	s10 =	sld [smem:$0x3FB7]  }
0x39: {  	_ = 	snop;
	(pc) =	sbr.ind lr, $3  }
0x3a: {  	_ = 	snop  }
0x3b: {  	_ = 	snop  }
0x3c: {  	p2 =	seq.s32 s10, $0x1;
	s10 =	sld [smem:$0x3FB6]  }
0x3d: {  	_ =	shalt  }
0x3e: {  	_ =	shalt  }
0x3f: {  	_ =	shalt  }
0x40: {  	_ =	shalt  }
0x41: {  	_ =	shalt  }
0x42: {  	_ =	shalt  }
0x43: {  	_ =	shalt  }
0x44: {  	_ =	shalt  }
0x45: {  	_ =	shalt  }
0x46: {  	_ =	shalt  }
0x47: {  	_ =	shalt  }
0x48: {  	_ =	shalt  }
0x49: {  	_ =	shalt  }
0x4a: {  	_ =	shalt  }
0x4b: {  	_ =	shalt  }
0x4c: {  	_ =	shalt  }
0x4d: {  	_ =	shalt  }
0x4e: {  	_ =	shalt  }
0x4f: {  	_ =	shalt  }
0x50: {  	_ =	shalt  }
0x51: {  	_ =	shalt  }
0x52: {  	_ =	shalt  }
0x53: {  	_ =	shalt  }
0x54: {  	_ =	shalt  }
0x55: {  	_ =	shalt  }
0x56: {  	_ =	shalt  }
0x57: {  	_ =	shalt  }
0x58: {  	_ =	shalt  }
0x59: {  	_ =	shalt  }
0x5a: {  	_ =	shalt  }
0x5b: {  	_ =	shalt  }
0x5c: {  	_ =	shalt  }
0x5d: {  	_ =	shalt  }
0x5e: {  	_ =	shalt  }
0x5f: {  	_ =	shalt  }
0x60: {  	_ =	shalt  }
0x61: {  	_ =	shalt  }
0x62: {  	_ =	shalt  }
0x63: {  	_ =	shalt  }
0x64: {  	_ =	shalt  }
0x65: {  	_ =	shalt  }
0x66: {  	_ =	shalt  }
0x67: {  	_ =	shalt  }
0x68: {  	_ =	shalt  }
0x69: {  	_ =	shalt  }
0x6a: {  	_ =	shalt  }
0x6b: {  	_ =	shalt  }
0x6c: {  	_ =	shalt  }
0x6d: {  	_ =	shalt  }
0x6e: {  	_ =	shalt  }
0x6f: {  	_ =	shalt  }
0x70: {  	_ =	shalt  }
0x71: {  	_ =	shalt  }
0x72: {  	_ =	shalt  }
0x73: {  	_ =	shalt  }
0x74: {  	_ =	shalt  }
0x75: {  	_ =	shalt  }
0x76: {  	_ =	shalt  }
0x77: {  	_ =	shalt  }
0x78: {  	_ =	shalt  }
0x79: {  	_ =	shalt  }
0x7a: {  	_ =	shalt  }
0x7b: {  	_ =	shalt  }
0x7c: {  	_ =	shalt  }
0x7d: {  	_ =	shalt  }
0x7e: {  	_ =	shalt  }
0x7f: {  	_ =	shalt  }
0x80: {  	_ =	shalt  }
0x81: {  	_ =	shalt  }
0x82: {  	_ =	shalt  }
0x83: {  	_ =	shalt  }
0x84: {  	_ =	shalt  }
0x85: {  	_ =	shalt  }
0x86: {  	_ =	shalt  }
0x87: {  	_ =	shalt  }
.Lfunc_end0:
.L_simem_size_0:
called_computation_lowered:
.L_overlay_start_0:
0x88: {  	s2 =	sld [smem:$0x3FD9]  }
0x89: {  	s3 =	sld [smem:$0x3FFE];
	_ =	sdelay $0x1  }
0x8a: {  	s1 =	srdreg.scid  }
0x8b: {  	s0 =	sand.u32 $0x1, s1  }
0x8c: {  	s17 =	sshll.u32 s0, $0xA;
	s2 =	sadd.s32 s3, s2  }
0x8d: {  	s2 =	sadd.s32 s2, s17  }
0x8e: {  	[smem:$0x3FC2] =	sst s2  }
0x8f: {  	_ = 	snop  }
0x90: {  	s2 =	sld [smem:$0x3FD0];
	(tm) =	ssettm $0x1  }
0x91: {  	s18 =	sld [smem:$0x3FFB];
	_ =	sdelay $0x3  }
0x92: {  	_ =	strace s18  }
0x93: {  	s3 =	sld [smem:$0x3FFC];
	_ =	sdelay $0x3  }
0x94: {  	_ =	strace s3  }
0x95: {  	s3 =	sld [smem:$0x3FFD];
	_ =	sdelay $0x3  }
0x96: {  	_ =	strace s3  }
0x97: {  	_ =	strace $0x8FFFFFFF  }
0x98: {  	s19 =	sld [smem:$0x3FDB];
	_ =	sdelay $0x1  }
0x99: {  	s4 =	simm.s32 $_scs_section_size  }
0x9a: {  	s5 =	simm.s32 $_size__tile_overlayer_lowered;
	s6 =	simm.s32 $_tile_overlayer_lowered  }
0x9b: {  	s22 =	simm.s32 $0x1BFF;
	s21 =	sshll.u32 s6, $0x1;
	s3 =	sadd.s32 s4, s19  }
0x9c: {  	s7 =	simm.s32 $0x0;
	s20 =	sshll.u32 s5, $0x1;
	s5 =	sadd.s32 s21, s3  }
0x9d: {  	[timem:s7], [sflag:s22] =	dma.local [hbm:s5], s20  }
0x9e: {  	_ =	swait.ge [sflag:s22], s20  }
0x9f: {  	s4 =	ssub.s32 $0x0, s20;
	[sflag:s22] =	ssyncset.done $0x0  }
0xa0: {  	[sflag:s22] =	ssyncadd.s32 s4;
	_ =	sdelay $0x1  }
0xa1: {  	s23 =	simm.s32 $0x1B8B  }
0xa2: {  	_ =	swait.ge [sflag:s23], $0x1  }
0xa3: {  	[sflag:s23] =	ssyncset.done $0x0  }
0xa4: {  	s25 =	simm.s32 $0x1B8E;
	s24 =	sld [smem:$0x3FFE];
	[sflag:s23] =	ssyncadd.s32 $0xFFFFFFFF  }
0xa5: {  	s26 =	simm.s32 $execute0_lowered;
	[smem:$0x3FD2] =	sst s25  }
0xa6: {  	s5 =	sshll.u32 s26, $0x1;
	_ =	strace $0x80000046;
	[dreg:$0x1] =	wrdreg $0xFFFFFFFF  }
0xa7: {  	s28 =	simm.s32 $_size_execute0_lowered;
	s3 =	sadd.s32 s3, s5;
	[dreg:$0x0] =	wrdreg $0x0  }
0xa8: {  	s5 =	sshll.u32 s28, $0x1;
	[dreg:$0x2] =	wrdreg s3  }
0xa9: {  	[dreg:$0x3] =	wrdreg s5  }
0xaa: {  	[dreg:$0x4] =	wrdreg $0xC0  }
0xab: {  	_ =	task [dreg:s7], $0x5FFFF  }
0xac: {  	[dreg:$0x1] =	wrdreg $0xFFFFFFFF  }
0xad: {  	[dreg:$0x0] =	wrdreg $0x60  }
0xae: {  	[dreg:$0x2] =	wrdreg s24  }
0xaf: {  	[dreg:$0x3] =	wrdreg s2  }
0xb0: {  	[dreg:$0x4] =	wrdreg $0x4F000  }
0xb1: {  	[dreg:$0x5] =	wrdreg $0x9  }
0xb2: {  	_ =	task.clear_ibuf [dreg:s7], $0x6FFFF;
	_ =	strace $0x90000046  }
0xb3: {  	s29 =	simm.s32 $0x9;
	_ =	strace $0x80000048  }
0xb4: {  	_ =	swait.ge [sflag:s29], $0x1  }
0xb5: {  	[sflag:s29] =	ssyncadd.s32 $0xFFFFFFFF  }
0xb6: {  	_ =	strace $0x90000048  }
0xb7: {  	_ =	sfence  }
0xb8: {  	s30 =	sld [smem:$0x0];
	_ =	sdelay $0x2  }
0xb9: {  	s31 =	sshll.u32 s1, $0xD;
	s1 =	sshrl.u32 s1, $0x2  }
0xba: {  	s3 =	sand.u32 $0x4000, s31;
	s1 =	sadd.s32 s1, s30  }
0xbb: {  	s0 =	sor.u32 s3, s0;
	s1 =	sshll.u32 s1, $0x11  }
0xbc: {  	s0 =	sor.u32 s1, s0  }
0xbd: {  	s0 =	sadd.s32 $0x8F2B, s0  }
0xbe: {  	[sflag:s0] =	ssyncadd.remote.s32 $0x1  }
0xbf: {  	_ =	sfence.sel $0xFFFF  }
0xc0: {  	[dreg:$0x0] =	wrdreg $0xFFFFFFFF;
	(pc) =	sbr.abs _section_cstart, $3  }
0xc1: {  	[dreg:$0x1] =	wrdreg $0xFFFFFFFF  }
0xc2: {  	_ =	task.clear_ibuf [dreg:s7], $0x2FFFF;
	_ =	strace $0x9FFFFFFF  }
0xc3: {  	(tm) =	ssettm $0x7FFFFFFF  }
tec
execute0_lowered:
.L_overlay_start_1:
0x0: {  	(tag) =	ssettag $0x1  }
0x1: {  	s10 =	rddreg [dreg:$0x0]  }
0x2: {  	s12 =	rddreg [dreg:$0x1]  }
0x3: {  	s2 =	rddreg [dreg:$0x2];
	s1 =	stileid.u32  }
0x4: {  	s0 =	rddreg [dreg:$0x3];
	s3 =	simm.s32 $0x0;
	s13 =	smul.u32 $0x280, s1  }
0x5: {  	[smem:$0x7FF] =	sst s3;
	s4 =	sadd.s32 $0x16200, s10  }
0x6: {  	s5 =	sshll.u32 s1, $0x6;
	_ =	strace $0x80000047;
	s6 =	sadd.s32 s13, s2  }
0x7: {  	s5 =	sor.u32 $0x1C01, s5;
	s7 =	sshrl.u32 s6, $0x3;
	s6 =	simm.s32 $0x1  }
0x8: {  	[spmem:s7], [sflag:s5] =	dma.local [hbm:s4], $0x50  }
0x9: {  	s8 =	srdreg.scid;
	s9 =	simm.s32 $0x2780;
	_ =	swait.ge [sflag:s6], $0x50  }
0xa: {  	s14 =	sand.u32 $0x1, s8;
	s29 =	sshll.u32 s1, $0x1;
	[sflag:s6] =	ssyncset.done $0x0  }
0xb: {  	s8 =	sadd.s32 $0x16400, s10;
	s11 =	sor.u32 s14, s29;
	[sflag:s6] =	ssyncadd.s32 $0xFFFFFFB0  }
0xc: {  	[tilespmem:s9], [sflag:$0x1] =	stream.linear.gather [hbm4b:s8+s3], $0x2780, $0x38;
	[tilespmem:$0x5180] =	vst v63  }
0xd: {  	s11 =	smul.u32 $0x4E2, s11;
	_ =	swait.ge [sflag:s6], $0x2780  }
0xe: {  	[sflag:s6] =	ssyncset.done $0x0  }
0xf: {  	s10 =	sadd.s32 s11, s10;
	[sflag:s6] =	ssyncadd.s32 $0xFFFFD880  }
0x10: {  	s10 =	sadd.s32 $0xC400, s10;
	[bflag:$0x0] =	sbarrier.arrive $0xFFFF  }
0x11: {  	[tilespmem:s3], [sflag:$0x1] =	stream.linear.gather [hbm4b:s10+s3], $0x2710, $0x38;
	[tilespmem:$0x5180] =	vst v63  }
0x12: {  	s15 =	smul.u32 $0x2800, s14;
	s14 =	ssub.s32 $0x2, s14;
	_ =	swait.ge [sflag:s6], $0x2710  }
0x13: {  	s30 =	sshrl.u32 s14, $0x1;
	[sflag:s6] =	ssyncset.done $0x0  }
0x14: {  	s14 =	ssub.s32 s14, s30;
	s11 =	simm.s32 $0x2710;
	[sflag:s6] =	ssyncadd.s32 $0xFFFFD8F0  }
0x15: {  	[spmem:s2] =	stream.indirect.scatter.add.f32 [tilespmem:s9], [sflag:$0x1], $0x1, s3, s11, $0xb8;
	[tilespmem:$0x5180] =	vst v63  }
0x16: {  	s31 =	smax.u32 s14, $0x1;
	_ =	swait.ge [sflag:s6], $0x2710  }
0x17: {  	s13 =	sadd.s32 s13, s15;
	p0 =	sne.s32 s31, $0x1;
	[sflag:s6] =	ssyncset.done $0x0  }
.Ltmp0:
0x18: {  	s13 =	sshrl.u32 s13, $0x3;
	[sflag:s6] =	ssyncadd.s32 $0xFFFFD8F0;
	(pc) =	sbr.rel @!p0 .LBB2_2-.Ltmp0, $4  }
0x19: {  	s12 =	sadd.s32 s12, s13;
	[bflag:$0x0] =	sbarrier.arrive $0xFFFF  }
0x1a: {  	[hbm:s12], [sflag:s5] =	dma.local [spmem:s7], $0x50  }
0x1b: {  	_ =	swait.ge [sflag:s6], $0x50  }
0x1c: {  	s13 =	sadd.s32 $0xFFFFFFFF, s31;
	[sflag:s6] =	ssyncset.done $0x0  }
.LBB2_1:
0x1d: {  	p0 =	sne.s32 s13, $0x1;
	s13 =	sadd.s32 $0xFFFFFFFF, s13;
	[sflag:s6] =	ssyncadd.s32 $0xFFFFFFB0  }
0x1e: {  	[spmem:s7], [sflag:s5] =	dma.local [hbm:s4], $0x50  }
0x1f: {  	_ =	swait.ge [sflag:s6], $0x50  }
0x20: {  	[sflag:s6] =	ssyncset.done $0x0  }
0x21: {  	[sflag:s6] =	ssyncadd.s32 $0xFFFFFFB0  }
0x22: {  	[tilespmem:s9], [sflag:$0x1] =	stream.linear.gather [hbm4b:s8+s3], $0x2780, $0x38;
	[tilespmem:$0x5180] =	vst v63  }
0x23: {  	_ =	swait.ge [sflag:s6], $0x2780  }
0x24: {  	[sflag:s6] =	ssyncset.done $0x0  }
0x25: {  	[sflag:s6] =	ssyncadd.s32 $0xFFFFD880  }
0x26: {  	[bflag:$0x0] =	sbarrier.arrive $0xFFFF  }
0x27: {  	[tilespmem:s3], [sflag:$0x1] =	stream.linear.gather [hbm4b:s10+s3], $0x2710, $0x38;
	[tilespmem:$0x5180] =	vst v63  }
0x28: {  	_ =	swait.ge [sflag:s6], $0x2710  }
0x29: {  	[sflag:s6] =	ssyncset.done $0x0  }
0x2a: {  	[sflag:s6] =	ssyncadd.s32 $0xFFFFD8F0  }
0x2b: {  	[spmem:s2] =	stream.indirect.scatter.add.f32 [tilespmem:s9], [sflag:$0x1], $0x1, s3, s11, $0xb8;
	[tilespmem:$0x5180] =	vst v63  }
0x2c: {  	_ =	swait.ge [sflag:s6], $0x2710  }
0x2d: {  	[sflag:s6] =	ssyncset.done $0x0  }
.Ltmp1:
0x2e: {  	[sflag:s6] =	ssyncadd.s32 $0xFFFFD8F0;
	(pc) =	sbr.rel @p0 .LBB2_1-.Ltmp1, $4  }
0x2f: {  	[bflag:$0x0] =	sbarrier.arrive $0xFFFF  }
0x30: {  	[hbm:s12], [sflag:s5] =	dma.local [spmem:s7], $0x50  }
0x31: {  	_ =	swait.ge [sflag:s6], $0x50  }
0x32: {  	[sflag:s6] =	ssyncset.done $0x0  }
.LBB2_2:
0x33: {  	[sflag:s6] =	ssyncadd.s32 $0xFFFFFFB0  }
0x34: {  	_ =	sfence.sel $0x180000  }
0x35: {  	[bflag:$0x0] =	sbarrier.arrive $0xFFFF  }
0x36: {  	p0 =	sne.s32 s1, $0x0;
	_ =	strace $0x90000047  }
0x37: {  	s0 =	sadd.s32 @!p0 $0x100000, s0;
	[bflag:$0x2] =	sbarrier.arrive $0xFFFF  }
0x38: {  	[sflag:s0] =	ssyncadd.tile.s32 @!p0 $0x1;
	_ =	shalt  }
.Lfunc_end2:
_tile_overlayer_lowered:
.L_overlay_start_2:
0x39: {  	(tag) =	ssettag $0x2  }
0x3a: {  	s0 =	rddreg [dreg:$0x0];
	s2 =	stileid.u32  }
0x3b: {  	s1 =	rddreg [dreg:$0x1];
	p0 =	sne.s32 s2, $0x0  }
0x3c: {  	s3 =	rddreg [dreg:$0x2];
	[bflag:$0x3] =	sbarrier.arrive $0xFFFF;
	s2 =	simm.s32 @!p0 $0x1C01  }
0x3d: {  	[timem:s3], [sflag:s2] =	dma.local @!p0 [hbm:s0], s1  }
0x3e: {  	s0 =	simm.s32 @!p0 $0x1  }
0x3f: {  	_ =	swait.ge @!p0 [sflag:s0], s1  }
0x40: {  	s1 =	ssub.s32 @!p0 $0x0, s1;
	[sflag:s0] =	ssyncset.done @!p0 $0x0  }
0x41: {  	[sflag:s0] =	ssyncadd.s32 @!p0 s1  }
0x42: {  	[bflag:$0x3] =	sbarrier.arrive $0xFFFF  }
0x43: {  	_ =	shalt  }

</sc_bundles>
